<compile_context>
chip_gen: v7x
topology: tpu7x:2x2x1
jax: 0.10.2.dev20260603
libtpu: 0.0.44.dev20260713+nightly
codegen_flags: <defaults>
</compile_context>

<pallas_src>
import functools
import math

import jax
import jax.numpy as jnp
from jax import lax
from jax.experimental import pallas as pl
from jax.experimental.pallas import tpu as pltpu
from jax.experimental.pallas import tpu_sc as plsc

NC, NS, L = 2, 16, 16
NW = NC * NS


def _make_sc_kernel(B, C, HW, K):
    QW = NW // B
    PPW = K // QW
    PPWP = ((PPW + L - 1) // L) * L
    CCH = C // L
    JCH = PPWP // L

    mesh = plsc.VectorSubcoreMesh(core_axis_name="c", subcore_axis_name="s")

    @functools.partial(
        pl.kernel,
        out_type=jax.ShapeDtypeStruct((NW, 2, L), jnp.float32),
        mesh=mesh,
        compiler_params=pltpu.CompilerParams(needs_layout_passes=False),
        scratch_types=[
            pltpu.VMEM((K,), jnp.int32),
            pltpu.VMEM((K,), jnp.int32),
            pltpu.VMEM((PPWP,), jnp.float32),
            pltpu.VMEM((PPWP,), jnp.int32),
            pltpu.VMEM((PPWP,), jnp.int32),
            pltpu.VMEM((PPWP, C), jnp.float32),
            pltpu.VMEM((PPWP, C), jnp.float32),
            pltpu.VMEM((2, L), jnp.float32),
            pltpu.SemaphoreType.DMA,
            pltpu.SemaphoreType.DMA,
        ],
    )
    def sc_kernel(feat_hbm, ind_hbm, mask_hbm, tgtT_hbm, out_hbm,
                  ind_v, maski_v, maskf_v, rows_v, trows_v, gath_v, tgt_v,
                  part_v, sem0, sem1):
        tgt2d_hbm = tgtT_hbm.reshape(K * B, C)
        wid = lax.axis_index("s") * NC + lax.axis_index("c")
        lane = jnp.arange(L, dtype=jnp.int32)
        b_s = wid // QW
        k0 = (wid % QW) * PPW

        ind_cp = pltpu.async_copy(ind_hbm.at[b_s], ind_v, sem0)
        pltpu.async_copy(mask_hbm.at[b_s], maski_v, sem1).wait()
        ind_cp.wait()

        bbase = jnp.full((L,), b_s * HW, jnp.int32)
        cnt = jnp.zeros((L,), jnp.float32)
        for jj in range(JCH):
            kk = k0 + jj * L + lane
            kks = jnp.minimum(kk, K - 1)
            rows_v[pl.ds(jj * L, L)] = bbase + plsc.load_gather(ind_v, [kks])
            trows_v[pl.ds(jj * L, L)] = kks * B + b_s
            mi = plsc.load_gather(maski_v, [kks])
            ok = jnp.logical_and(kk < k0 + PPW, mi > 0)
            mfv = jnp.where(ok, 1.0, 0.0).astype(jnp.float32)
            maskf_v[pl.ds(jj * L, L)] = mfv
            cnt = cnt + mfv

        tgt_cp = pltpu.async_copy(tgt2d_hbm.at[trows_v], tgt_v, sem1)
        pltpu.async_copy(feat_hbm.at[rows_v], gath_v, sem0).wait()
        tgt_cp.wait()

        def _gat1(ref, j):
            return plsc.load_gather(ref, [jnp.full((L,), j, jnp.int32)])

        def mse_body(j, a):
            mf = _gat1(maskf_v, j)
            s = jnp.zeros((L,), jnp.float32)
            for cc in range(CCH):
                d = (gath_v[j, pl.ds(cc * L, L)]
                     - tgt_v[j, pl.ds(cc * L, L)])
                s = s + d * d
            return a + s * mf

        acc = lax.fori_loop(0, PPW, mse_body, jnp.zeros((L,), jnp.float32))

        part_v[0, :] = acc
        part_v[1, :] = cnt
        pltpu.sync_copy(part_v, out_hbm.at[wid])

    return sc_kernel


def kernel(output, mask, ind, target):
    B, C, H, W = output.shape
    K = ind.shape[1]
    HW = H * W

    feat = jnp.transpose(output, (0, 2, 3, 1)).reshape(B * HW, C)
    tgtT = jnp.transpose(target, (1, 0, 2))

    sck = _make_sc_kernel(B, C, HW, K)
    parts = sck(feat, ind.astype(jnp.int32), mask.astype(jnp.int32), tgtT)

    sumsq = jnp.sum(parts[:, 0, :])
    cnt = jnp.sum(parts[:, 1, :])
    denom = jnp.maximum(cnt * C, 1.0)
    return jnp.where(cnt > 0, sumsq / denom, jnp.asarray(0.0, jnp.float32))

# --- scband reference (transcript-rebuilt; emitter-appended) ---
"""Pipeline reference for scband-embedding-vector-loss-44186623542166 (READ-ONLY COPY).

The authoritative reference and input builder live on the scoring server;
editing this copy changes nothing except your own understanding.
"""

import jax, jax.numpy as jnp
import numpy as np
import math

NID = 14455
EMB_SCALE = math.sqrt(2) * math.log(NID - 1)


def setup_inputs(seed: int = 0) -> dict:
    key = jax.random.key(seed)
    k1, k2, k3, k4 = jax.random.split(key, 4)
    B, C, H, W, K = 8, 128, 152, 272, 500
    output = jax.random.normal(k1, (B, C, H, W), dtype=jnp.float32)
    mask = jax.random.randint(k2, (B, K), 0, 2).astype(jnp.int64)
    ind = jax.random.randint(k3, (B, K), 0, H * W).astype(jnp.int64)
    target = jax.random.normal(k4, (B, K, C), dtype=jnp.float32)
    return {"output": output, "mask": mask, "ind": ind, "target": target}


def reference(output, mask, ind, target):
    B, C, H, W = output.shape
    # _tranpose_and_gather_feat: [B,C,H,W] -> [B,H,W,C] -> [B,HW,C], gather by ind -> [B,K,C]
    feat = jnp.transpose(output, (0, 2, 3, 1)).reshape(B, H * W, C)
    vector_head = jnp.take_along_axis(feat, ind[:, :, None], axis=1)  # [B, K, C]
    # mask > 0 boolean selection, expressed fixed-shape: weight rows by mask
    maskf = (mask > 0).astype(output.dtype)[:, :, None]  # [B, K, 1]
    cnt = jnp.sum(maskf)
    # F.normalize on masked rows (dead code in original loss; loss uses unnormalized head)
    norm = jnp.sqrt(jnp.sum(vector_head * vector_head, axis=-1, keepdims=True))
    _ = EMB_SCALE * vector_head / jnp.maximum(norm, 1e-12)
    # nn.MSELoss() = mean over all selected elements (rows * C)
    diff2 = (vector_head - target) ** 2 * maskf
    denom = jnp.maximum(cnt * C, 1.0)
    vector_loss = jnp.where(cnt > 0, jnp.sum(diff2) / denom, jnp.asarray(0.0, output.dtype))
    return vector_loss

if __name__ == "__main__":
    import jax
    _d = setup_inputs()
    print(jax.jit(kernel)(*tuple(_d.values())))

</pallas_src>

<mosaic_0001>
#map = affine_map<(d0, d1) -> (0, 0)>
#map1 = affine_map<(d0, d1) -> (0, 0, 0)>
module attributes {stable_mosaic.version = 14 : i64} {
  func.func @sc_kernel(%arg0: i32, %arg1: i32, %arg2: memref<330752x128xf32, #tpu.memory_space<hbm>>, %arg3: memref<8x500xi32, #tpu.memory_space<hbm>>, %arg4: memref<8x500xi32, #tpu.memory_space<hbm>>, %arg5: memref<500x8x128xf32, #tpu.memory_space<hbm>>, %arg6: memref<32x2x16xf32, #tpu.memory_space<hbm>>, %arg7: memref<500xi32, #tpu.memory_space<vmem>>, %arg8: memref<500xi32, #tpu.memory_space<vmem>>, %arg9: memref<128xf32, #tpu.memory_space<vmem>>, %arg10: memref<128xi32, #tpu.memory_space<vmem>>, %arg11: memref<128xi32, #tpu.memory_space<vmem>>, %arg12: memref<128x128xf32, #tpu.memory_space<vmem>>, %arg13: memref<128x128xf32, #tpu.memory_space<vmem>>, %arg14: memref<2x16xf32, #tpu.memory_space<vmem>>, %arg15: memref<!tpu.dma_semaphore, #tpu.memory_space<semaphore_mem>>, %arg16: memref<!tpu.dma_semaphore, #tpu.memory_space<semaphore_mem>>) attributes {dimension_semantics = [#tpu.dimension_semantics<core_parallel>, #tpu.dimension_semantics<subcore_parallel>], iteration_bounds = array<i64: 2, 16>, scalar_prefetch = 0 : i64, scratch_operands = 10 : i64, tpu.core_type = #tpu.core_type<sc_vector_subcore>, window_params = [{transform_indices = #map}, {transform_indices = #map}, {transform_indices = #map}, {transform_indices = #map1}, {transform_indices = #map1}]} {
    %mul3A = arith.constant 2 : i32
    %mul3A_0 = arith.muli %arg1, %mul3A : i32
    %add3A = arith.addi %mul3A_0, %arg0 : i32
    %iota3A = tpu.iota {dimensions = array<i32: 0>} : vector<16xi32>
    %jit3A = arith.constant 4 : i32
    %div3A = arith.divsi %add3A, %jit3A : i32
    %sign3A = arith.constant 0 : i32
    %sign3A_1 = arith.cmpi sgt, %add3A, %sign3A : i32
    %sign3A_2 = arith.extui %sign3A_1 : i1 to i32
    %sign3A_3 = arith.constant 0 : i32
    %sign3A_4 = arith.cmpi slt, %add3A, %sign3A_3 : i32
    %sign3A_5 = arith.extui %sign3A_4 : i1 to i32
    %sign3A_6 = arith.subi %sign3A_2, %sign3A_5 : i32
    %sign3A_7 = arith.constant 0 : i32
    %sign3A_8 = arith.cmpi sgt, %jit3A, %sign3A_7 : i32
    %sign3A_9 = arith.extui %sign3A_8 : i1 to i32
    %sign3A_10 = arith.constant 0 : i32
    %sign3A_11 = arith.cmpi slt, %jit3A, %sign3A_10 : i32
    %sign3A_12 = arith.extui %sign3A_11 : i1 to i32
    %sign3A_13 = arith.subi %sign3A_9, %sign3A_12 : i32
    %ne3A = arith.cmpi ne, %sign3A_6, %sign3A_13 : i32
    %rem3A = arith.remsi %add3A, %jit3A : i32
    %ne3A_14 = arith.constant 0 : i32
    %ne3A_15 = arith.cmpi ne, %rem3A, %ne3A_14 : i32
    %and3A = arith.andi %ne3A, %ne3A_15 : i1
    %sub3A = arith.constant 1 : i32
    %sub3A_16 = arith.subi %div3A, %sub3A : i32
    %select_n3A = arith.select %and3A, %sub3A_16, %div3A : i32
    %jit3A_17 = arith.constant 4 : i32
    %eq3A = arith.constant 0 : i32
    %eq3A_18 = arith.cmpi eq, %jit3A_17, %eq3A : i32
    %jit3A_19 = arith.constant 1 : i32
    %select_n3A_20 = arith.select %eq3A_18, %jit3A_19, %jit3A_17 : i32
    %rem3A_21 = arith.remsi %add3A, %select_n3A_20 : i32
    %ne3A_22 = arith.constant 0 : i32
    %ne3A_23 = arith.cmpi ne, %rem3A_21, %ne3A_22 : i32
    %lt3A = arith.constant 0 : i32
    %lt3A_24 = arith.cmpi slt, %rem3A_21, %lt3A : i32
    %lt3A_25 = arith.constant 0 : i32
    %lt3A_26 = arith.cmpi slt, %select_n3A_20, %lt3A_25 : i32
    %ne3A_27 = arith.xori %lt3A_24, %lt3A_26 : i1
    %and3A_28 = arith.andi %ne3A_27, %ne3A_23 : i1
    %add3A_29 = arith.addi %rem3A_21, %select_n3A_20 : i32
    %select_n3A_30 = arith.select %and3A_28, %add3A_29, %rem3A_21 : i32
    %mul3A_31 = arith.constant 125 : i32
    %mul3A_32 = arith.muli %select_n3A_30, %mul3A_31 : i32
    %dma_start3A = arith.constant 0 : i32
    %dma_start3A_33 = tpu.memref_slice %arg3[%select_n3A, %dma_start3A] : memref<8x500xi32, #tpu.memory_space<hbm>> -> memref<1x500xi32, #tpu.memory_space<hbm>>
    %dma_start3A_34 = tpu.memref_squeeze %dma_start3A_33 : memref<1x500xi32, #tpu.memory_space<hbm>> -> memref<500xi32, #tpu.memory_space<hbm>>
    %dma_start3A_35 = arith.constant 0 : i32
    %dma_start3A_36 = tpu.memref_slice %arg3[%select_n3A, %dma_start3A_35] : memref<8x500xi32, #tpu.memory_space<hbm>> -> memref<1x500xi32, #tpu.memory_space<hbm>>
    %dma_start3A_37 = tpu.memref_squeeze %dma_start3A_36 : memref<1x500xi32, #tpu.memory_space<hbm>> -> memref<500xi32, #tpu.memory_space<hbm>>
    tpu.enqueue_dma source(%dma_start3A_37 : memref<500xi32, #tpu.memory_space<hbm>>) target(%arg7 : memref<500xi32, #tpu.memory_space<vmem>>) target_semaphore(%arg15 : memref<!tpu.dma_semaphore, #tpu.memory_space<semaphore_mem>>)
    %dma_start3A_38 = arith.constant 0 : i32
    %dma_start3A_39 = tpu.memref_slice %arg4[%select_n3A, %dma_start3A_38] : memref<8x500xi32, #tpu.memory_space<hbm>> -> memref<1x500xi32, #tpu.memory_space<hbm>>
    %dma_start3A_40 = tpu.memref_squeeze %dma_start3A_39 : memref<1x500xi32, #tpu.memory_space<hbm>> -> memref<500xi32, #tpu.memory_space<hbm>>
    %dma_start3A_41 = arith.constant 0 : i32
    %dma_start3A_42 = tpu.memref_slice %arg4[%select_n3A, %dma_start3A_41] : memref<8x500xi32, #tpu.memory_space<hbm>> -> memref<1x500xi32, #tpu.memory_space<hbm>>
    %dma_start3A_43 = tpu.memref_squeeze %dma_start3A_42 : memref<1x500xi32, #tpu.memory_space<hbm>> -> memref<500xi32, #tpu.memory_space<hbm>>
    tpu.enqueue_dma source(%dma_start3A_43 : memref<500xi32, #tpu.memory_space<hbm>>) target(%arg8 : memref<500xi32, #tpu.memory_space<vmem>>) target_semaphore(%arg16 : memref<!tpu.dma_semaphore, #tpu.memory_space<semaphore_mem>>)
    %dma_wait3A = arith.constant 0 : i32
    %dma_wait3A_44 = tpu.memref_slice %arg4[%select_n3A, %dma_wait3A] : memref<8x500xi32, #tpu.memory_space<hbm>> -> memref<1x500xi32, #tpu.memory_space<hbm>>
    %dma_wait3A_45 = tpu.memref_squeeze %dma_wait3A_44 : memref<1x500xi32, #tpu.memory_space<hbm>> -> memref<500xi32, #tpu.memory_space<hbm>>
    %dma_wait3A_46 = arith.constant 0 : i32
    %dma_wait3A_47 = tpu.memref_slice %arg4[%select_n3A, %dma_wait3A_46] : memref<8x500xi32, #tpu.memory_space<hbm>> -> memref<1x500xi32, #tpu.memory_space<hbm>>
    %dma_wait3A_48 = tpu.memref_squeeze %dma_wait3A_47 : memref<1x500xi32, #tpu.memory_space<hbm>> -> memref<500xi32, #tpu.memory_space<hbm>>
    tpu.wait_dma2 semaphore(%arg16 : memref<!tpu.dma_semaphore, #tpu.memory_space<semaphore_mem>>) src(%dma_wait3A_48 : memref<500xi32, #tpu.memory_space<hbm>>) dst(%arg8 : memref<500xi32, #tpu.memory_space<vmem>>)
    %dma_wait3A_49 = arith.constant 0 : i32
    %dma_wait3A_50 = tpu.memref_slice %arg3[%select_n3A, %dma_wait3A_49] : memref<8x500xi32, #tpu.memory_space<hbm>> -> memref<1x500xi32, #tpu.memory_space<hbm>>
    %dma_wait3A_51 = tpu.memref_squeeze %dma_wait3A_50 : memref<1x500xi32, #tpu.memory_space<hbm>> -> memref<500xi32, #tpu.memory_space<hbm>>
    %dma_wait3A_52 = arith.constant 0 : i32
    %dma_wait3A_53 = tpu.memref_slice %arg3[%select_n3A, %dma_wait3A_52] : memref<8x500xi32, #tpu.memory_space<hbm>> -> memref<1x500xi32, #tpu.memory_space<hbm>>
    %dma_wait3A_54 = tpu.memref_squeeze %dma_wait3A_53 : memref<1x500xi32, #tpu.memory_space<hbm>> -> memref<500xi32, #tpu.memory_space<hbm>>
    tpu.wait_dma2 semaphore(%arg15 : memref<!tpu.dma_semaphore, #tpu.memory_space<semaphore_mem>>) src(%dma_wait3A_54 : memref<500xi32, #tpu.memory_space<hbm>>) dst(%arg7 : memref<500xi32, #tpu.memory_space<vmem>>)
    %mul3A_55 = arith.constant 41344 : i32
    %mul3A_56 = arith.muli %select_n3A, %mul3A_55 : i32
    %broadcast_in_dim3A = vector.broadcast %mul3A_56 : i32 to vector<16xi32>
    %broadcast_in_dim3A_57 = arith.constant 0.000000e+00 : f32
    %broadcast_in_dim3A_58 = vector.broadcast %broadcast_in_dim3A_57 : f32 to vector<16xf32>
    %add3A_59 = arith.constant 0 : i32
    %add3A_60 = arith.addi %mul3A_32, %add3A_59 : i32
    %add3A_61 = vector.broadcast %add3A_60 : i32 to vector<16xi32>
    %add3A_62 = arith.addi %add3A_61, %iota3A : vector<16xi32>
    %min3A = arith.constant 499 : i32
    %min3A_63 = vector.broadcast %min3A : i32 to vector<16xi32>
    %min3A_64 = arith.minsi %add3A_62, %min3A_63 : vector<16xi32>
    %gather3A = tpu.vector_load_idx %arg7[%min3A_64] : memref<500xi32, #tpu.memory_space<vmem>>[vector<16xi32>], vector<16xi32>,
    %add3A_65 = arith.addi %broadcast_in_dim3A, %gather3A : vector<16xi32>
    %swap3A = arith.constant 0 : index
    %swap3A_66 = tpu.vector_load %arg10[%swap3A] {strides = array<i32>} : memref<128xi32, #tpu.memory_space<vmem>>, vector<16xi32>,
    tpu.vector_store %arg10[%swap3A], %add3A_65 {strides = array<i32>} : memref<128xi32, #tpu.memory_space<vmem>>, vector<16xi32>,
    %mul3A_67 = arith.constant 8 : i32
    %mul3A_68 = vector.broadcast %mul3A_67 : i32 to vector<16xi32>
    %mul3A_69 = arith.muli %min3A_64, %mul3A_68 : vector<16xi32>
    %add3A_70 = vector.broadcast %select_n3A : i32 to vector<16xi32>
    %add3A_71 = arith.addi %mul3A_69, %add3A_70 : vector<16xi32>
    %swap3A_72 = arith.constant 0 : index
    %swap3A_73 = tpu.vector_load %arg11[%swap3A_72] {strides = array<i32>} : memref<128xi32, #tpu.memory_space<vmem>>, vector<16xi32>,
    tpu.vector_store %arg11[%swap3A_72], %add3A_71 {strides = array<i32>} : memref<128xi32, #tpu.memory_space<vmem>>, vector<16xi32>,
    %gather3A_74 = tpu.vector_load_idx %arg8[%min3A_64] : memref<500xi32, #tpu.memory_space<vmem>>[vector<16xi32>], vector<16xi32>,
    %add3A_75 = arith.constant 125 : i32
    %add3A_76 = arith.addi %mul3A_32, %add3A_75 : i32
    %lt3A_77 = vector.broadcast %add3A_76 : i32 to vector<16xi32>
    %lt3A_78 = arith.cmpi slt, %add3A_62, %lt3A_77 : vector<16xi32>
    %gt3A = arith.constant 0 : i32
    %gt3A_79 = vector.broadcast %gt3A : i32 to vector<16xi32>
    %gt3A_80 = arith.cmpi sgt, %gather3A_74, %gt3A_79 : vector<16xi32>
    %and3A_81 = arith.andi %lt3A_78, %gt3A_80 : vector<16xi1>
    %jit3A_82 = arith.constant 1.000000e+00 : f32
    %jit3A_83 = arith.constant 0.000000e+00 : f32
    %broadcast_in_dim3A_84 = vector.broadcast %jit3A_82 : f32 to vector<16xf32>
    %broadcast_in_dim3A_85 = vector.broadcast %jit3A_83 : f32 to vector<16xf32>
    %select_n3A_86 = arith.select %and3A_81, %broadcast_in_dim3A_84, %broadcast_in_dim3A_85 : vector<16xi1>, vector<16xf32>
    %swap3A_87 = arith.constant 0 : index
    %swap3A_88 = tpu.vector_load %arg9[%swap3A_87] {strides = array<i32>} : memref<128xf32, #tpu.memory_space<vmem>>, vector<16xf32>,
    tpu.vector_store %arg9[%swap3A_87], %select_n3A_86 {strides = array<i32>} : memref<128xf32, #tpu.memory_space<vmem>>, vector<16xf32>,
    %add3A_89 = arith.addf %broadcast_in_dim3A_58, %select_n3A_86 : vector<16xf32>
    %add3A_90 = arith.constant 16 : i32
    %add3A_91 = arith.addi %mul3A_32, %add3A_90 : i32
    %add3A_92 = vector.broadcast %add3A_91 : i32 to vector<16xi32>
    %add3A_93 = arith.addi %add3A_92, %iota3A : vector<16xi32>
    %min3A_94 = arith.constant 499 : i32
    %min3A_95 = vector.broadcast %min3A_94 : i32 to vector<16xi32>
    %min3A_96 = arith.minsi %add3A_93, %min3A_95 : vector<16xi32>
    %gather3A_97 = tpu.vector_load_idx %arg7[%min3A_96] : memref<500xi32, #tpu.memory_space<vmem>>[vector<16xi32>], vector<16xi32>,
    %add3A_98 = arith.addi %broadcast_in_dim3A, %gather3A_97 : vector<16xi32>
    %swap3A_99 = arith.constant 16 : index
    %swap3A_100 = tpu.vector_load %arg10[%swap3A_99] {strides = array<i32>} : memref<128xi32, #tpu.memory_space<vmem>>, vector<16xi32>,
    tpu.vector_store %arg10[%swap3A_99], %add3A_98 {strides = array<i32>} : memref<128xi32, #tpu.memory_space<vmem>>, vector<16xi32>,
    %mul3A_101 = arith.constant 8 : i32
    %mul3A_102 = vector.broadcast %mul3A_101 : i32 to vector<16xi32>
    %mul3A_103 = arith.muli %min3A_96, %mul3A_102 : vector<16xi32>
    %add3A_104 = vector.broadcast %select_n3A : i32 to vector<16xi32>
    %add3A_105 = arith.addi %mul3A_103, %add3A_104 : vector<16xi32>
    %swap3A_106 = arith.constant 16 : index
    %swap3A_107 = tpu.vector_load %arg11[%swap3A_106] {strides = array<i32>} : memref<128xi32, #tpu.memory_space<vmem>>, vector<16xi32>,
    tpu.vector_store %arg11[%swap3A_106], %add3A_105 {strides = array<i32>} : memref<128xi32, #tpu.memory_space<vmem>>, vector<16xi32>,
    %gather3A_108 = tpu.vector_load_idx %arg8[%min3A_96] : memref<500xi32, #tpu.memory_space<vmem>>[vector<16xi32>], vector<16xi32>,
    %add3A_109 = arith.constant 125 : i32
    %add3A_110 = arith.addi %mul3A_32, %add3A_109 : i32
    %lt3A_111 = vector.broadcast %add3A_110 : i32 to vector<16xi32>
    %lt3A_112 = arith.cmpi slt, %add3A_93, %lt3A_111 : vector<16xi32>
    %gt3A_113 = arith.constant 0 : i32
    %gt3A_114 = vector.broadcast %gt3A_113 : i32 to vector<16xi32>
    %gt3A_115 = arith.cmpi sgt, %gather3A_108, %gt3A_114 : vector<16xi32>
    %and3A_116 = arith.andi %lt3A_112, %gt3A_115 : vector<16xi1>
    %jit3A_117 = arith.constant 1.000000e+00 : f32
    %jit3A_118 = arith.constant 0.000000e+00 : f32
    %broadcast_in_dim3A_119 = vector.broadcast %jit3A_117 : f32 to vector<16xf32>
    %broadcast_in_dim3A_120 = vector.broadcast %jit3A_118 : f32 to vector<16xf32>
    %select_n3A_121 = arith.select %and3A_116, %broadcast_in_dim3A_119, %broadcast_in_dim3A_120 : vector<16xi1>, vector<16xf32>
    %swap3A_122 = arith.constant 16 : index
    %swap3A_123 = tpu.vector_load %arg9[%swap3A_122] {strides = array<i32>} : memref<128xf32, #tpu.memory_space<vmem>>, vector<16xf32>,
    tpu.vector_store %arg9[%swap3A_122], %select_n3A_121 {strides = array<i32>} : memref<128xf32, #tpu.memory_space<vmem>>, vector<16xf32>,
    %add3A_124 = arith.addf %add3A_89, %select_n3A_121 : vector<16xf32>
    %add3A_125 = arith.constant 32 : i32
    %add3A_126 = arith.addi %mul3A_32, %add3A_125 : i32
    %add3A_127 = vector.broadcast %add3A_126 : i32 to vector<16xi32>
    %add3A_128 = arith.addi %add3A_127, %iota3A : vector<16xi32>
    %min3A_129 = arith.constant 499 : i32
    %min3A_130 = vector.broadcast %min3A_129 : i32 to vector<16xi32>
    %min3A_131 = arith.minsi %add3A_128, %min3A_130 : vector<16xi32>
    %gather3A_132 = tpu.vector_load_idx %arg7[%min3A_131] : memref<500xi32, #tpu.memory_space<vmem>>[vector<16xi32>], vector<16xi32>,
    %add3A_133 = arith.addi %broadcast_in_dim3A, %gather3A_132 : vector<16xi32>
    %swap3A_134 = arith.constant 32 : index
    %swap3A_135 = tpu.vector_load %arg10[%swap3A_134] {strides = array<i32>} : memref<128xi32, #tpu.memory_space<vmem>>, vector<16xi32>,
    tpu.vector_store %arg10[%swap3A_134], %add3A_133 {strides = array<i32>} : memref<128xi32, #tpu.memory_space<vmem>>, vector<16xi32>,
    %mul3A_136 = arith.constant 8 : i32
    %mul3A_137 = vector.broadcast %mul3A_136 : i32 to vector<16xi32>
    %mul3A_138 = arith.muli %min3A_131, %mul3A_137 : vector<16xi32>
    %add3A_139 = vector.broadcast %select_n3A : i32 to vector<16xi32>
    %add3A_140 = arith.addi %mul3A_138, %add3A_139 : vector<16xi32>
    %swap3A_141 = arith.constant 32 : index
    %swap3A_142 = tpu.vector_load %arg11[%swap3A_141] {strides = array<i32>} : memref<128xi32, #tpu.memory_space<vmem>>, vector<16xi32>,
    tpu.vector_store %arg11[%swap3A_141], %add3A_140 {strides = array<i32>} : memref<128xi32, #tpu.memory_space<vmem>>, vector<16xi32>,
    %gather3A_143 = tpu.vector_load_idx %arg8[%min3A_131] : memref<500xi32, #tpu.memory_space<vmem>>[vector<16xi32>], vector<16xi32>,
    %add3A_144 = arith.constant 125 : i32
    %add3A_145 = arith.addi %mul3A_32, %add3A_144 : i32
    %lt3A_146 = vector.broadcast %add3A_145 : i32 to vector<16xi32>
    %lt3A_147 = arith.cmpi slt, %add3A_128, %lt3A_146 : vector<16xi32>
    %gt3A_148 = arith.constant 0 : i32
    %gt3A_149 = vector.broadcast %gt3A_148 : i32 to vector<16xi32>
    %gt3A_150 = arith.cmpi sgt, %gather3A_143, %gt3A_149 : vector<16xi32>
    %and3A_151 = arith.andi %lt3A_147, %gt3A_150 : vector<16xi1>
    %jit3A_152 = arith.constant 1.000000e+00 : f32
    %jit3A_153 = arith.constant 0.000000e+00 : f32
    %broadcast_in_dim3A_154 = vector.broadcast %jit3A_152 : f32 to vector<16xf32>
    %broadcast_in_dim3A_155 = vector.broadcast %jit3A_153 : f32 to vector<16xf32>
    %select_n3A_156 = arith.select %and3A_151, %broadcast_in_dim3A_154, %broadcast_in_dim3A_155 : vector<16xi1>, vector<16xf32>
    %swap3A_157 = arith.constant 32 : index
    %swap3A_158 = tpu.vector_load %arg9[%swap3A_157] {strides = array<i32>} : memref<128xf32, #tpu.memory_space<vmem>>, vector<16xf32>,
    tpu.vector_store %arg9[%swap3A_157], %select_n3A_156 {strides = array<i32>} : memref<128xf32, #tpu.memory_space<vmem>>, vector<16xf32>,
    %add3A_159 = arith.addf %add3A_124, %select_n3A_156 : vector<16xf32>
    %add3A_160 = arith.constant 48 : i32
    %add3A_161 = arith.addi %mul3A_32, %add3A_160 : i32
    %add3A_162 = vector.broadcast %add3A_161 : i32 to vector<16xi32>
    %add3A_163 = arith.addi %add3A_162, %iota3A : vector<16xi32>
    %min3A_164 = arith.constant 499 : i32
    %min3A_165 = vector.broadcast %min3A_164 : i32 to vector<16xi32>
    %min3A_166 = arith.minsi %add3A_163, %min3A_165 : vector<16xi32>
    %gather3A_167 = tpu.vector_load_idx %arg7[%min3A_166] : memref<500xi32, #tpu.memory_space<vmem>>[vector<16xi32>], vector<16xi32>,
    %add3A_168 = arith.addi %broadcast_in_dim3A, %gather3A_167 : vector<16xi32>
    %swap3A_169 = arith.constant 48 : index
    %swap3A_170 = tpu.vector_load %arg10[%swap3A_169] {strides = array<i32>} : memref<128xi32, #tpu.memory_space<vmem>>, vector<16xi32>,
    tpu.vector_store %arg10[%swap3A_169], %add3A_168 {strides = array<i32>} : memref<128xi32, #tpu.memory_space<vmem>>, vector<16xi32>,
    %mul3A_171 = arith.constant 8 : i32
    %mul3A_172 = vector.broadcast %mul3A_171 : i32 to vector<16xi32>
    %mul3A_173 = arith.muli %min3A_166, %mul3A_172 : vector<16xi32>
    %add3A_174 = vector.broadcast %select_n3A : i32 to vector<16xi32>
    %add3A_175 = arith.addi %mul3A_173, %add3A_174 : vector<16xi32>
    %swap3A_176 = arith.constant 48 : index
    %swap3A_177 = tpu.vector_load %arg11[%swap3A_176] {strides = array<i32>} : memref<128xi32, #tpu.memory_space<vmem>>, vector<16xi32>,
    tpu.vector_store %arg11[%swap3A_176], %add3A_175 {strides = array<i32>} : memref<128xi32, #tpu.memory_space<vmem>>, vector<16xi32>,
    %gather3A_178 = tpu.vector_load_idx %arg8[%min3A_166] : memref<500xi32, #tpu.memory_space<vmem>>[vector<16xi32>], vector<16xi32>,
    %add3A_179 = arith.constant 125 : i32
    %add3A_180 = arith.addi %mul3A_32, %add3A_179 : i32
    %lt3A_181 = vector.broadcast %add3A_180 : i32 to vector<16xi32>
    %lt3A_182 = arith.cmpi slt, %add3A_163, %lt3A_181 : vector<16xi32>
    %gt3A_183 = arith.constant 0 : i32
    %gt3A_184 = vector.broadcast %gt3A_183 : i32 to vector<16xi32>
    %gt3A_185 = arith.cmpi sgt, %gather3A_178, %gt3A_184 : vector<16xi32>
    %and3A_186 = arith.andi %lt3A_182, %gt3A_185 : vector<16xi1>
    %jit3A_187 = arith.constant 1.000000e+00 : f32
    %jit3A_188 = arith.constant 0.000000e+00 : f32
    %broadcast_in_dim3A_189 = vector.broadcast %jit3A_187 : f32 to vector<16xf32>
    %broadcast_in_dim3A_190 = vector.broadcast %jit3A_188 : f32 to vector<16xf32>
    %select_n3A_191 = arith.select %and3A_186, %broadcast_in_dim3A_189, %broadcast_in_dim3A_190 : vector<16xi1>, vector<16xf32>
    %swap3A_192 = arith.constant 48 : index
    %swap3A_193 = tpu.vector_load %arg9[%swap3A_192] {strides = array<i32>} : memref<128xf32, #tpu.memory_space<vmem>>, vector<16xf32>,
    tpu.vector_store %arg9[%swap3A_192], %select_n3A_191 {strides = array<i32>} : memref<128xf32, #tpu.memory_space<vmem>>, vector<16xf32>,
    %add3A_194 = arith.addf %add3A_159, %select_n3A_191 : vector<16xf32>
    %add3A_195 = arith.constant 64 : i32
    %add3A_196 = arith.addi %mul3A_32, %add3A_195 : i32
    %add3A_197 = vector.broadcast %add3A_196 : i32 to vector<16xi32>
    %add3A_198 = arith.addi %add3A_197, %iota3A : vector<16xi32>
    %min3A_199 = arith.constant 499 : i32
    %min3A_200 = vector.broadcast %min3A_199 : i32 to vector<16xi32>
    %min3A_201 = arith.minsi %add3A_198, %min3A_200 : vector<16xi32>
    %gather3A_202 = tpu.vector_load_idx %arg7[%min3A_201] : memref<500xi32, #tpu.memory_space<vmem>>[vector<16xi32>], vector<16xi32>,
    %add3A_203 = arith.addi %broadcast_in_dim3A, %gather3A_202 : vector<16xi32>
    %swap3A_204 = arith.constant 64 : index
    %swap3A_205 = tpu.vector_load %arg10[%swap3A_204] {strides = array<i32>} : memref<128xi32, #tpu.memory_space<vmem>>, vector<16xi32>,
    tpu.vector_store %arg10[%swap3A_204], %add3A_203 {strides = array<i32>} : memref<128xi32, #tpu.memory_space<vmem>>, vector<16xi32>,
    %mul3A_206 = arith.constant 8 : i32
    %mul3A_207 = vector.broadcast %mul3A_206 : i32 to vector<16xi32>
    %mul3A_208 = arith.muli %min3A_201, %mul3A_207 : vector<16xi32>
    %add3A_209 = vector.broadcast %select_n3A : i32 to vector<16xi32>
    %add3A_210 = arith.addi %mul3A_208, %add3A_209 : vector<16xi32>
    %swap3A_211 = arith.constant 64 : index
    %swap3A_212 = tpu.vector_load %arg11[%swap3A_211] {strides = array<i32>} : memref<128xi32, #tpu.memory_space<vmem>>, vector<16xi32>,
    tpu.vector_store %arg11[%swap3A_211], %add3A_210 {strides = array<i32>} : memref<128xi32, #tpu.memory_space<vmem>>, vector<16xi32>,
    %gather3A_213 = tpu.vector_load_idx %arg8[%min3A_201] : memref<500xi32, #tpu.memory_space<vmem>>[vector<16xi32>], vector<16xi32>,
    %add3A_214 = arith.constant 125 : i32
    %add3A_215 = arith.addi %mul3A_32, %add3A_214 : i32
    %lt3A_216 = vector.broadcast %add3A_215 : i32 to vector<16xi32>
    %lt3A_217 = arith.cmpi slt, %add3A_198, %lt3A_216 : vector<16xi32>
    %gt3A_218 = arith.constant 0 : i32
    %gt3A_219 = vector.broadcast %gt3A_218 : i32 to vector<16xi32>
    %gt3A_220 = arith.cmpi sgt, %gather3A_213, %gt3A_219 : vector<16xi32>
    %and3A_221 = arith.andi %lt3A_217, %gt3A_220 : vector<16xi1>
    %jit3A_222 = arith.constant 1.000000e+00 : f32
    %jit3A_223 = arith.constant 0.000000e+00 : f32
    %broadcast_in_dim3A_224 = vector.broadcast %jit3A_222 : f32 to vector<16xf32>
    %broadcast_in_dim3A_225 = vector.broadcast %jit3A_223 : f32 to vector<16xf32>
    %select_n3A_226 = arith.select %and3A_221, %broadcast_in_dim3A_224, %broadcast_in_dim3A_225 : vector<16xi1>, vector<16xf32>
    %swap3A_227 = arith.constant 64 : index
    %swap3A_228 = tpu.vector_load %arg9[%swap3A_227] {strides = array<i32>} : memref<128xf32, #tpu.memory_space<vmem>>, vector<16xf32>,
    tpu.vector_store %arg9[%swap3A_227], %select_n3A_226 {strides = array<i32>} : memref<128xf32, #tpu.memory_space<vmem>>, vector<16xf32>,
    %add3A_229 = arith.addf %add3A_194, %select_n3A_226 : vector<16xf32>
    %add3A_230 = arith.constant 80 : i32
    %add3A_231 = arith.addi %mul3A_32, %add3A_230 : i32
    %add3A_232 = vector.broadcast %add3A_231 : i32 to vector<16xi32>
    %add3A_233 = arith.addi %add3A_232, %iota3A : vector<16xi32>
    %min3A_234 = arith.constant 499 : i32
    %min3A_235 = vector.broadcast %min3A_234 : i32 to vector<16xi32>
    %min3A_236 = arith.minsi %add3A_233, %min3A_235 : vector<16xi32>
    %gather3A_237 = tpu.vector_load_idx %arg7[%min3A_236] : memref<500xi32, #tpu.memory_space<vmem>>[vector<16xi32>], vector<16xi32>,
    %add3A_238 = arith.addi %broadcast_in_dim3A, %gather3A_237 : vector<16xi32>
    %swap3A_239 = arith.constant 80 : index
    %swap3A_240 = tpu.vector_load %arg10[%swap3A_239] {strides = array<i32>} : memref<128xi32, #tpu.memory_space<vmem>>, vector<16xi32>,
    tpu.vector_store %arg10[%swap3A_239], %add3A_238 {strides = array<i32>} : memref<128xi32, #tpu.memory_space<vmem>>, vector<16xi32>,
    %mul3A_241 = arith.constant 8 : i32
    %mul3A_242 = vector.broadcast %mul3A_241 : i32 to vector<16xi32>
    %mul3A_243 = arith.muli %min3A_236, %mul3A_242 : vector<16xi32>
    %add3A_244 = vector.broadcast %select_n3A : i32 to vector<16xi32>
    %add3A_245 = arith.addi %mul3A_243, %add3A_244 : vector<16xi32>
    %swap3A_246 = arith.constant 80 : index
    %swap3A_247 = tpu.vector_load %arg11[%swap3A_246] {strides = array<i32>} : memref<128xi32, #tpu.memory_space<vmem>>, vector<16xi32>,
    tpu.vector_store %arg11[%swap3A_246], %add3A_245 {strides = array<i32>} : memref<128xi32, #tpu.memory_space<vmem>>, vector<16xi32>,
    %gather3A_248 = tpu.vector_load_idx %arg8[%min3A_236] : memref<500xi32, #tpu.memory_space<vmem>>[vector<16xi32>], vector<16xi32>,
    %add3A_249 = arith.constant 125 : i32
    %add3A_250 = arith.addi %mul3A_32, %add3A_249 : i32
    %lt3A_251 = vector.broadcast %add3A_250 : i32 to vector<16xi32>
    %lt3A_252 = arith.cmpi slt, %add3A_233, %lt3A_251 : vector<16xi32>
    %gt3A_253 = arith.constant 0 : i32
    %gt3A_254 = vector.broadcast %gt3A_253 : i32 to vector<16xi32>
    %gt3A_255 = arith.cmpi sgt, %gather3A_248, %gt3A_254 : vector<16xi32>
    %and3A_256 = arith.andi %lt3A_252, %gt3A_255 : vector<16xi1>
    %jit3A_257 = arith.constant 1.000000e+00 : f32
    %jit3A_258 = arith.constant 0.000000e+00 : f32
    %broadcast_in_dim3A_259 = vector.broadcast %jit3A_257 : f32 to vector<16xf32>
    %broadcast_in_dim3A_260 = vector.broadcast %jit3A_258 : f32 to vector<16xf32>
    %select_n3A_261 = arith.select %and3A_256, %broadcast_in_dim3A_259, %broadcast_in_dim3A_260 : vector<16xi1>, vector<16xf32>
    %swap3A_262 = arith.constant 80 : index
    %swap3A_263 = tpu.vector_load %arg9[%swap3A_262] {strides = array<i32>} : memref<128xf32, #tpu.memory_space<vmem>>, vector<16xf32>,
    tpu.vector_store %arg9[%swap3A_262], %select_n3A_261 {strides = array<i32>} : memref<128xf32, #tpu.memory_space<vmem>>, vector<16xf32>,
    %add3A_264 = arith.addf %add3A_229, %select_n3A_261 : vector<16xf32>
    %add3A_265 = arith.constant 96 : i32
    %add3A_266 = arith.addi %mul3A_32, %add3A_265 : i32
    %add3A_267 = vector.broadcast %add3A_266 : i32 to vector<16xi32>
    %add3A_268 = arith.addi %add3A_267, %iota3A : vector<16xi32>
    %min3A_269 = arith.constant 499 : i32
    %min3A_270 = vector.broadcast %min3A_269 : i32 to vector<16xi32>
    %min3A_271 = arith.minsi %add3A_268, %min3A_270 : vector<16xi32>
    %gather3A_272 = tpu.vector_load_idx %arg7[%min3A_271] : memref<500xi32, #tpu.memory_space<vmem>>[vector<16xi32>], vector<16xi32>,
    %add3A_273 = arith.addi %broadcast_in_dim3A, %gather3A_272 : vector<16xi32>
    %swap3A_274 = arith.constant 96 : index
    %swap3A_275 = tpu.vector_load %arg10[%swap3A_274] {strides = array<i32>} : memref<128xi32, #tpu.memory_space<vmem>>, vector<16xi32>,
    tpu.vector_store %arg10[%swap3A_274], %add3A_273 {strides = array<i32>} : memref<128xi32, #tpu.memory_space<vmem>>, vector<16xi32>,
    %mul3A_276 = arith.constant 8 : i32
    %mul3A_277 = vector.broadcast %mul3A_276 : i32 to vector<16xi32>
    %mul3A_278 = arith.muli %min3A_271, %mul3A_277 : vector<16xi32>
    %add3A_279 = vector.broadcast %select_n3A : i32 to vector<16xi32>
    %add3A_280 = arith.addi %mul3A_278, %add3A_279 : vector<16xi32>
    %swap3A_281 = arith.constant 96 : index
    %swap3A_282 = tpu.vector_load %arg11[%swap3A_281] {strides = array<i32>} : memref<128xi32, #tpu.memory_space<vmem>>, vector<16xi32>,
    tpu.vector_store %arg11[%swap3A_281], %add3A_280 {strides = array<i32>} : memref<128xi32, #tpu.memory_space<vmem>>, vector<16xi32>,
    %gather3A_283 = tpu.vector_load_idx %arg8[%min3A_271] : memref<500xi32, #tpu.memory_space<vmem>>[vector<16xi32>], vector<16xi32>,
    %add3A_284 = arith.constant 125 : i32
    %add3A_285 = arith.addi %mul3A_32, %add3A_284 : i32
    %lt3A_286 = vector.broadcast %add3A_285 : i32 to vector<16xi32>
    %lt3A_287 = arith.cmpi slt, %add3A_268, %lt3A_286 : vector<16xi32>
    %gt3A_288 = arith.constant 0 : i32
    %gt3A_289 = vector.broadcast %gt3A_288 : i32 to vector<16xi32>
    %gt3A_290 = arith.cmpi sgt, %gather3A_283, %gt3A_289 : vector<16xi32>
    %and3A_291 = arith.andi %lt3A_287, %gt3A_290 : vector<16xi1>
    %jit3A_292 = arith.constant 1.000000e+00 : f32
    %jit3A_293 = arith.constant 0.000000e+00 : f32
    %broadcast_in_dim3A_294 = vector.broadcast %jit3A_292 : f32 to vector<16xf32>
    %broadcast_in_dim3A_295 = vector.broadcast %jit3A_293 : f32 to vector<16xf32>
    %select_n3A_296 = arith.select %and3A_291, %broadcast_in_dim3A_294, %broadcast_in_dim3A_295 : vector<16xi1>, vector<16xf32>
    %swap3A_297 = arith.constant 96 : index
    %swap3A_298 = tpu.vector_load %arg9[%swap3A_297] {strides = array<i32>} : memref<128xf32, #tpu.memory_space<vmem>>, vector<16xf32>,
    tpu.vector_store %arg9[%swap3A_297], %select_n3A_296 {strides = array<i32>} : memref<128xf32, #tpu.memory_space<vmem>>, vector<16xf32>,
    %add3A_299 = arith.addf %add3A_264, %select_n3A_296 : vector<16xf32>
    %add3A_300 = arith.constant 112 : i32
    %add3A_301 = arith.addi %mul3A_32, %add3A_300 : i32
    %add3A_302 = vector.broadcast %add3A_301 : i32 to vector<16xi32>
    %add3A_303 = arith.addi %add3A_302, %iota3A : vector<16xi32>
    %min3A_304 = arith.constant 499 : i32
    %min3A_305 = vector.broadcast %min3A_304 : i32 to vector<16xi32>
    %min3A_306 = arith.minsi %add3A_303, %min3A_305 : vector<16xi32>
    %gather3A_307 = tpu.vector_load_idx %arg7[%min3A_306] : memref<500xi32, #tpu.memory_space<vmem>>[vector<16xi32>], vector<16xi32>,
    %add3A_308 = arith.addi %broadcast_in_dim3A, %gather3A_307 : vector<16xi32>
    %swap3A_309 = arith.constant 112 : index
    %swap3A_310 = tpu.vector_load %arg10[%swap3A_309] {strides = array<i32>} : memref<128xi32, #tpu.memory_space<vmem>>, vector<16xi32>,
    tpu.vector_store %arg10[%swap3A_309], %add3A_308 {strides = array<i32>} : memref<128xi32, #tpu.memory_space<vmem>>, vector<16xi32>,
    %mul3A_311 = arith.constant 8 : i32
    %mul3A_312 = vector.broadcast %mul3A_311 : i32 to vector<16xi32>
    %mul3A_313 = arith.muli %min3A_306, %mul3A_312 : vector<16xi32>
    %add3A_314 = vector.broadcast %select_n3A : i32 to vector<16xi32>
    %add3A_315 = arith.addi %mul3A_313, %add3A_314 : vector<16xi32>
    %swap3A_316 = arith.constant 112 : index
    %swap3A_317 = tpu.vector_load %arg11[%swap3A_316] {strides = array<i32>} : memref<128xi32, #tpu.memory_space<vmem>>, vector<16xi32>,
    tpu.vector_store %arg11[%swap3A_316], %add3A_315 {strides = array<i32>} : memref<128xi32, #tpu.memory_space<vmem>>, vector<16xi32>,
    %gather3A_318 = tpu.vector_load_idx %arg8[%min3A_306] : memref<500xi32, #tpu.memory_space<vmem>>[vector<16xi32>], vector<16xi32>,
    %add3A_319 = arith.constant 125 : i32
    %add3A_320 = arith.addi %mul3A_32, %add3A_319 : i32
    %lt3A_321 = vector.broadcast %add3A_320 : i32 to vector<16xi32>
    %lt3A_322 = arith.cmpi slt, %add3A_303, %lt3A_321 : vector<16xi32>
    %gt3A_323 = arith.constant 0 : i32
    %gt3A_324 = vector.broadcast %gt3A_323 : i32 to vector<16xi32>
    %gt3A_325 = arith.cmpi sgt, %gather3A_318, %gt3A_324 : vector<16xi32>
    %and3A_326 = arith.andi %lt3A_322, %gt3A_325 : vector<16xi1>
    %jit3A_327 = arith.constant 1.000000e+00 : f32
    %jit3A_328 = arith.constant 0.000000e+00 : f32
    %broadcast_in_dim3A_329 = vector.broadcast %jit3A_327 : f32 to vector<16xf32>
    %broadcast_in_dim3A_330 = vector.broadcast %jit3A_328 : f32 to vector<16xf32>
    %select_n3A_331 = arith.select %and3A_326, %broadcast_in_dim3A_329, %broadcast_in_dim3A_330 : vector<16xi1>, vector<16xf32>
    %swap3A_332 = arith.constant 112 : index
    %swap3A_333 = tpu.vector_load %arg9[%swap3A_332] {strides = array<i32>} : memref<128xf32, #tpu.memory_space<vmem>>, vector<16xf32>,
    tpu.vector_store %arg9[%swap3A_332], %select_n3A_331 {strides = array<i32>} : memref<128xf32, #tpu.memory_space<vmem>>, vector<16xf32>,
    %add3A_334 = arith.addf %add3A_299, %select_n3A_331 : vector<16xf32>
    %dma_start3A_335 = tpu.memref_reshape %arg5 : memref<500x8x128xf32, #tpu.memory_space<hbm>> -> memref<4000x128xf32, #tpu.memory_space<hbm>>
    %dma_start3A_336 = arith.constant 0 : i32
    %dma_start3A_337 = arith.constant 0 : i32
    %dma_start3A_338 = tpu.memref_slice %dma_start3A_335[%dma_start3A_336, %dma_start3A_337] : memref<4000x128xf32, #tpu.memory_space<hbm>> -> memref<4000x128xf32, #tpu.memory_space<hbm>>
    tpu.enqueue_indirect_dma source(%dma_start3A_338 : memref<4000x128xf32, #tpu.memory_space<hbm>>) target(%arg13 : memref<128x128xf32, #tpu.memory_space<vmem>>) offsets(%arg11 : memref<128xi32, #tpu.memory_space<vmem>>) semaphore(%arg16 : memref<!tpu.dma_semaphore, #tpu.memory_space<semaphore_mem>>)
    %dma_start3A_339 = arith.constant 0 : i32
    %dma_start3A_340 = arith.constant 0 : i32
    %dma_start3A_341 = tpu.memref_slice %arg2[%dma_start3A_339, %dma_start3A_340] : memref<330752x128xf32, #tpu.memory_space<hbm>> -> memref<330752x128xf32, #tpu.memory_space<hbm>>
    tpu.enqueue_indirect_dma source(%dma_start3A_341 : memref<330752x128xf32, #tpu.memory_space<hbm>>) target(%arg12 : memref<128x128xf32, #tpu.memory_space<vmem>>) offsets(%arg10 : memref<128xi32, #tpu.memory_space<vmem>>) semaphore(%arg15 : memref<!tpu.dma_semaphore, #tpu.memory_space<semaphore_mem>>)
    %dma_wait3A_342 = arith.constant 0 : i32
    %dma_wait3A_343 = arith.constant 0 : i32
    %dma_wait3A_344 = tpu.memref_slice %arg2[%dma_wait3A_342, %dma_wait3A_343] : memref<330752x128xf32, #tpu.memory_space<hbm>> -> memref<330752x128xf32, #tpu.memory_space<hbm>>
    tpu.wait_indirect_dma semaphore(%arg15 : memref<!tpu.dma_semaphore, #tpu.memory_space<semaphore_mem>>) src(%dma_wait3A_344 : memref<330752x128xf32, #tpu.memory_space<hbm>>) dst(%arg12 : memref<128x128xf32, #tpu.memory_space<vmem>>)
    %dma_wait3A_345 = tpu.memref_reshape %arg5 : memref<500x8x128xf32, #tpu.memory_space<hbm>> -> memref<4000x128xf32, #tpu.memory_space<hbm>>
    %dma_wait3A_346 = arith.constant 0 : i32
    %dma_wait3A_347 = arith.constant 0 : i32
    %dma_wait3A_348 = tpu.memref_slice %dma_wait3A_345[%dma_wait3A_346, %dma_wait3A_347] : memref<4000x128xf32, #tpu.memory_space<hbm>> -> memref<4000x128xf32, #tpu.memory_space<hbm>>
    tpu.wait_indirect_dma semaphore(%arg16 : memref<!tpu.dma_semaphore, #tpu.memory_space<semaphore_mem>>) src(%dma_wait3A_348 : memref<4000x128xf32, #tpu.memory_space<hbm>>) dst(%arg13 : memref<128x128xf32, #tpu.memory_space<vmem>>)
    %broadcast_in_dim3A_349 = arith.constant 0.000000e+00 : f32
    %broadcast_in_dim3A_350 = vector.broadcast %broadcast_in_dim3A_349 : f32 to vector<16xf32>
    %scan3A = arith.constant 0 : i32
    %scan3A_351 = arith.constant 125 : i32
    %scan3A_352 = arith.addi %scan3A, %scan3A_351 : i32
    %scan3A_353 = arith.constant 1 : i32
    %scan3A_354 = scf.for %scan3A_364 = %scan3A to %scan3A_352 step %scan3A_353 iter_args(%scan3A_365 = %broadcast_in_dim3A_350) -> (vector<16xf32>)  : i32 {
      %broadcast_in_dim3A_366 = vector.broadcast %scan3A_364 : i32 to vector<16xi32>
      %gather3A_367 = tpu.vector_load_idx %arg9[%broadcast_in_dim3A_366] : memref<128xf32, #tpu.memory_space<vmem>>[vector<16xi32>], vector<16xf32>,
      %broadcast_in_dim3A_368 = arith.constant 0.000000e+00 : f32
      %broadcast_in_dim3A_369 = vector.broadcast %broadcast_in_dim3A_368 : f32 to vector<16xf32>
      %get3A = arith.index_cast %scan3A_364 : i32 to index
      %get3A_370 = arith.constant 0 : index
      %get3A_371 = tpu.vector_load %arg12[%get3A, %get3A_370] {strides = array<i32>} : memref<128x128xf32, #tpu.memory_space<vmem>>, vector<16xf32>,
      %get3A_372 = arith.index_cast %scan3A_364 : i32 to index
      %get3A_373 = arith.constant 0 : index
      %get3A_374 = tpu.vector_load %arg13[%get3A_372, %get3A_373] {strides = array<i32>} : memref<128x128xf32, #tpu.memory_space<vmem>>, vector<16xf32>,
      %sub3A_375 = arith.subf %get3A_371, %get3A_374 : vector<16xf32>
      %mul3A_376 = arith.mulf %sub3A_375, %sub3A_375 : vector<16xf32>
      %add3A_377 = arith.addf %broadcast_in_dim3A_369, %mul3A_376 : vector<16xf32>
      %get3A_378 = arith.index_cast %scan3A_364 : i32 to index
      %get3A_379 = arith.constant 16 : index
      %get3A_380 = tpu.vector_load %arg12[%get3A_378, %get3A_379] {strides = array<i32>} : memref<128x128xf32, #tpu.memory_space<vmem>>, vector<16xf32>,
      %get3A_381 = arith.index_cast %scan3A_364 : i32 to index
      %get3A_382 = arith.constant 16 : index
      %get3A_383 = tpu.vector_load %arg13[%get3A_381, %get3A_382] {strides = array<i32>} : memref<128x128xf32, #tpu.memory_space<vmem>>, vector<16xf32>,
      %sub3A_384 = arith.subf %get3A_380, %get3A_383 : vector<16xf32>
      %mul3A_385 = arith.mulf %sub3A_384, %sub3A_384 : vector<16xf32>
      %add3A_386 = arith.addf %add3A_377, %mul3A_385 : vector<16xf32>
      %get3A_387 = arith.index_cast %scan3A_364 : i32 to index
      %get3A_388 = arith.constant 32 : index
      %get3A_389 = tpu.vector_load %arg12[%get3A_387, %get3A_388] {strides = array<i32>} : memref<128x128xf32, #tpu.memory_space<vmem>>, vector<16xf32>,
      %get3A_390 = arith.index_cast %scan3A_364 : i32 to index
      %get3A_391 = arith.constant 32 : index
      %get3A_392 = tpu.vector_load %arg13[%get3A_390, %get3A_391] {strides = array<i32>} : memref<128x128xf32, #tpu.memory_space<vmem>>, vector<16xf32>,
      %sub3A_393 = arith.subf %get3A_389, %get3A_392 : vector<16xf32>
      %mul3A_394 = arith.mulf %sub3A_393, %sub3A_393 : vector<16xf32>
      %add3A_395 = arith.addf %add3A_386, %mul3A_394 : vector<16xf32>
      %get3A_396 = arith.index_cast %scan3A_364 : i32 to index
      %get3A_397 = arith.constant 48 : index
      %get3A_398 = tpu.vector_load %arg12[%get3A_396, %get3A_397] {strides = array<i32>} : memref<128x128xf32, #tpu.memory_space<vmem>>, vector<16xf32>,
      %get3A_399 = arith.index_cast %scan3A_364 : i32 to index
      %get3A_400 = arith.constant 48 : index
      %get3A_401 = tpu.vector_load %arg13[%get3A_399, %get3A_400] {strides = array<i32>} : memref<128x128xf32, #tpu.memory_space<vmem>>, vector<16xf32>,
      %sub3A_402 = arith.subf %get3A_398, %get3A_401 : vector<16xf32>
      %mul3A_403 = arith.mulf %sub3A_402, %sub3A_402 : vector<16xf32>
      %add3A_404 = arith.addf %add3A_395, %mul3A_403 : vector<16xf32>
      %get3A_405 = arith.index_cast %scan3A_364 : i32 to index
      %get3A_406 = arith.constant 64 : index
      %get3A_407 = tpu.vector_load %arg12[%get3A_405, %get3A_406] {strides = array<i32>} : memref<128x128xf32, #tpu.memory_space<vmem>>, vector<16xf32>,
      %get3A_408 = arith.index_cast %scan3A_364 : i32 to index
      %get3A_409 = arith.constant 64 : index
      %get3A_410 = tpu.vector_load %arg13[%get3A_408, %get3A_409] {strides = array<i32>} : memref<128x128xf32, #tpu.memory_space<vmem>>, vector<16xf32>,
      %sub3A_411 = arith.subf %get3A_407, %get3A_410 : vector<16xf32>
      %mul3A_412 = arith.mulf %sub3A_411, %sub3A_411 : vector<16xf32>
      %add3A_413 = arith.addf %add3A_404, %mul3A_412 : vector<16xf32>
      %get3A_414 = arith.index_cast %scan3A_364 : i32 to index
      %get3A_415 = arith.constant 80 : index
      %get3A_416 = tpu.vector_load %arg12[%get3A_414, %get3A_415] {strides = array<i32>} : memref<128x128xf32, #tpu.memory_space<vmem>>, vector<16xf32>,
      %get3A_417 = arith.index_cast %scan3A_364 : i32 to index
      %get3A_418 = arith.constant 80 : index
      %get3A_419 = tpu.vector_load %arg13[%get3A_417, %get3A_418] {strides = array<i32>} : memref<128x128xf32, #tpu.memory_space<vmem>>, vector<16xf32>,
      %sub3A_420 = arith.subf %get3A_416, %get3A_419 : vector<16xf32>
      %mul3A_421 = arith.mulf %sub3A_420, %sub3A_420 : vector<16xf32>
      %add3A_422 = arith.addf %add3A_413, %mul3A_421 : vector<16xf32>
      %get3A_423 = arith.index_cast %scan3A_364 : i32 to index
      %get3A_424 = arith.constant 96 : index
      %get3A_425 = tpu.vector_load %arg12[%get3A_423, %get3A_424] {strides = array<i32>} : memref<128x128xf32, #tpu.memory_space<vmem>>, vector<16xf32>,
      %get3A_426 = arith.index_cast %scan3A_364 : i32 to index
      %get3A_427 = arith.constant 96 : index
      %get3A_428 = tpu.vector_load %arg13[%get3A_426, %get3A_427] {strides = array<i32>} : memref<128x128xf32, #tpu.memory_space<vmem>>, vector<16xf32>,
      %sub3A_429 = arith.subf %get3A_425, %get3A_428 : vector<16xf32>
      %mul3A_430 = arith.mulf %sub3A_429, %sub3A_429 : vector<16xf32>
      %add3A_431 = arith.addf %add3A_422, %mul3A_430 : vector<16xf32>
      %get3A_432 = arith.index_cast %scan3A_364 : i32 to index
      %get3A_433 = arith.constant 112 : index
      %get3A_434 = tpu.vector_load %arg12[%get3A_432, %get3A_433] {strides = array<i32>} : memref<128x128xf32, #tpu.memory_space<vmem>>, vector<16xf32>,
      %get3A_435 = arith.index_cast %scan3A_364 : i32 to index
      %get3A_436 = arith.constant 112 : index
      %get3A_437 = tpu.vector_load %arg13[%get3A_435, %get3A_436] {strides = array<i32>} : memref<128x128xf32, #tpu.memory_space<vmem>>, vector<16xf32>,
      %sub3A_438 = arith.subf %get3A_434, %get3A_437 : vector<16xf32>
      %mul3A_439 = arith.mulf %sub3A_438, %sub3A_438 : vector<16xf32>
      %add3A_440 = arith.addf %add3A_431, %mul3A_439 : vector<16xf32>
      %mul3A_441 = arith.mulf %add3A_440, %gather3A_367 : vector<16xf32>
      %add3A_442 = arith.addf %scan3A_365, %mul3A_441 : vector<16xf32>
      scf.yield %add3A_442 : vector<16xf32>
    }
    %scan3A_355 = arith.constant 125 : i32
    %swap3A_356 = arith.constant 0 : i32
    %swap3A_357 = arith.index_cast %swap3A_356 : i32 to index
    %swap3A_358 = arith.constant 0 : index
    %swap3A_359 = tpu.vector_load %arg14[%swap3A_357, %swap3A_358] {strides = array<i32>} : memref<2x16xf32, #tpu.memory_space<vmem>>, vector<16xf32>,
    tpu.vector_store %arg14[%swap3A_357, %swap3A_358], %scan3A_354 {strides = array<i32>} : memref<2x16xf32, #tpu.memory_space<vmem>>, vector<16xf32>,
    %swap3A_360 = arith.constant 1 : i32
    %swap3A_361 = arith.index_cast %swap3A_360 : i32 to index
    %swap3A_362 = arith.constant 0 : index
    %swap3A_363 = tpu.vector_load %arg14[%swap3A_361, %swap3A_362] {strides = array<i32>} : memref<2x16xf32, #tpu.memory_space<vmem>>, vector<16xf32>,
    tpu.vector_store %arg14[%swap3A_361, %swap3A_362], %add3A_334 {strides = array<i32>} : memref<2x16xf32, #tpu.memory_space<vmem>>, vector<16xf32>,
    "tpu.region"() ({
      %run_scoped3A = tpu.sem_alloc : memref<!tpu.dma_semaphore, #tpu.memory_space<semaphore_mem>>
      %dma_start3A_364 = arith.constant 0 : i32
      %dma_start3A_365 = arith.constant 0 : i32
      %dma_start3A_366 = tpu.memref_slice %arg6[%add3A, %dma_start3A_364, %dma_start3A_365] : memref<32x2x16xf32, #tpu.memory_space<hbm>> -> memref<1x2x16xf32, #tpu.memory_space<hbm>>
      %dma_start3A_367 = tpu.memref_squeeze %dma_start3A_366 : memref<1x2x16xf32, #tpu.memory_space<hbm>> -> memref<2x16xf32, #tpu.memory_space<hbm>>
      %dma_start3A_368 = arith.constant 0 : i32
      %dma_start3A_369 = arith.constant 0 : i32
      %dma_start3A_370 = tpu.memref_slice %arg6[%add3A, %dma_start3A_368, %dma_start3A_369] : memref<32x2x16xf32, #tpu.memory_space<hbm>> -> memref<1x2x16xf32, #tpu.memory_space<hbm>>
      %dma_start3A_371 = tpu.memref_squeeze %dma_start3A_370 : memref<1x2x16xf32, #tpu.memory_space<hbm>> -> memref<2x16xf32, #tpu.memory_space<hbm>>
      tpu.enqueue_dma source(%arg14 : memref<2x16xf32, #tpu.memory_space<vmem>>) target(%dma_start3A_371 : memref<2x16xf32, #tpu.memory_space<hbm>>) target_semaphore(%run_scoped3A : memref<!tpu.dma_semaphore, #tpu.memory_space<semaphore_mem>>)
      %dma_wait3A_372 = arith.constant 0 : i32
      %dma_wait3A_373 = arith.constant 0 : i32
      %dma_wait3A_374 = tpu.memref_slice %arg6[%add3A, %dma_wait3A_372, %dma_wait3A_373] : memref<32x2x16xf32, #tpu.memory_space<hbm>> -> memref<1x2x16xf32, #tpu.memory_space<hbm>>
      %dma_wait3A_375 = tpu.memref_squeeze %dma_wait3A_374 : memref<1x2x16xf32, #tpu.memory_space<hbm>> -> memref<2x16xf32, #tpu.memory_space<hbm>>
      %dma_wait3A_376 = arith.constant 0 : i32
      %dma_wait3A_377 = arith.constant 0 : i32
      %dma_wait3A_378 = tpu.memref_slice %arg6[%add3A, %dma_wait3A_376, %dma_wait3A_377] : memref<32x2x16xf32, #tpu.memory_space<hbm>> -> memref<1x2x16xf32, #tpu.memory_space<hbm>>
      %dma_wait3A_379 = tpu.memref_squeeze %dma_wait3A_378 : memref<1x2x16xf32, #tpu.memory_space<hbm>> -> memref<2x16xf32, #tpu.memory_space<hbm>>
      tpu.wait_dma2 semaphore(%run_scoped3A : memref<!tpu.dma_semaphore, #tpu.memory_space<semaphore_mem>>) src(%arg14 : memref<2x16xf32, #tpu.memory_space<vmem>>) dst(%dma_wait3A_379 : memref<2x16xf32, #tpu.memory_space<hbm>>)
      tpu.yield
    }) : () -> ()
    return
  }
}

</mosaic_0001>

<sc_bundles>
// kernel: kernel.3.cloned.1.call-start
scs
__scs_entry_jumppad:
0x0: {  	(pc) =	sbr.rel $0x88, $3  }
0x1: {  	(tag) =	ssettag $0x0;
	lr =	simm.s32 $0x1  }
0x2: {  	[smem:$0x3F9D] =	sst lr;
	_ =	strace $0xD0000000  }
0x3: {  	_ = 	snop  }
0x4: {  	_ = 	snop  }
0x5: {  	_ = 	snop  }
0x6: {  	_ = 	snop  }
0x7: {  	_ = 	snop  }
__scs_overlays_trampoline_lowered:
0x8: {  	[smem:$0x3FAC] =	sst s0  }
0x9: {  	[smem:$0x3FAD] =	sst s1  }
0xa: {  	[smem:$0x3FAE] =	sst s2  }
0xb: {  	[smem:$0x3FAF] =	sst s3  }
0xc: {  	[smem:$0x3FB0] =	sst s4  }
0xd: {  	[smem:$0x3FB1] =	sst s5  }
0xe: {  	[smem:$0x3FB2] =	sst s6  }
0xf: {  	[smem:$0x3FB3] =	sst s7  }
0x10: {  	[smem:$0x3FB4] =	sst s8  }
0x11: {  	[smem:$0x3FB5] =	sst s9;
	s0 =	simm.s32 @!p0 $0x0  }
0x12: {  	s1 =	sld [smem:$0x3F9B];
	s0 =	simm.s32 @p0 $0x1  }
0x13: {  	[smem:$0x3FB6] =	sst s0;
	s0 =	simm.s32 @!p1 $0x0  }
0x14: {  	s2 =	sld [smem:$0x3F9A];
	s0 =	simm.s32 @p1 $0x1  }
0x15: {  	[smem:$0x3FB7] =	sst s0;
	s0 =	simm.s32 @!p2 $0x0  }
0x16: {  	s3 =	sld [smem:$0x3FDB];
	s0 =	simm.s32 @p2 $0x1  }
0x17: {  	s4 =	simm.s32 $0x1BF5;
	[smem:$0x3FB9] =	sst s0  }
0x18: {  	s0 =	sld [smem:$0x3F9C];
	_ =	swait.ge [sflag:s4], $0x0  }
0x19: {  	s7 =	sld [smem:$0x3F9D]  }
0x1a: {  	s8 =	sadd.s32 $0xFFFFE003, lr  }
0x1b: {  	s9 =	sadd.s32 $0xFFFFFEF7, lr;
	s5 =	simm.s32 $0xFFFFFFFF;
	p2 =	slt.u32 s8, $0xFFFFF086  }
0x1c: {  	p1 =	slt.u32 s9, $0xF7A;
	s5 =	simm.s32 @!p2 $0x0  }
0x1d: {  	s5 =	simm.s32 @p1 $0x1;
	p0 =	seq.s32 s7, s2  }
0x1e: {  	s7 =	smul.u32 @!p0 $0xF7A, s2;
	p2 =	seq.s32 @!p0 s5, $0x0  }
0x1f: {  	s9 =	smul.u32 $0xF7A, s1;
	s8 =	simm.s32 @!p0 $0x1BF5;
	p2 =	por !p2, p0  }
0x20: {  	[sflag:s8] =	ssyncset.s32 @!p0 $0xFFFFF086;
	s6 =	sadd.s32 @!p0 s3, s7;
	s7 =	simm.s32 @!p0 $0x108  }
0x21: {  	s3 =	sadd.s32 s3, s9;
	s6 =	sadd.s32 @!p0 $0x88, s6;
	s7 =	simm.s32 @p2 $0x1082  }
0x22: {  	[simem:s7], [sflag:s8] =	dma.local @!p0 [hbm:s6], $0xF7A  }
0x23: {  	s9 =	sor.u32 $0xD0000000, s2;
	s6 =	simm.s32 $0x108;
	_ =	swait.ge @!p0 [sflag:s8], $0x0  }
0x24: {  	s3 =	sadd.s32 $0x88, s3;
	s6 =	simm.s32 @!p1 $0x1082;
	[sflag:s4] =	ssyncset.s32 $0xFFFFF086  }
0x25: {  	[simem:s6], [sflag:s4] =	dma.local [hbm:s3], $0xF7A  }
0x26: {  	[smem:$0x3F9D] =	sst s1;
	(tag) =	ssettag s2;
	_ =	strace s9  }
0x27: {  	s1 =	sld [smem:$0x3FAD]  }
0x28: {  	s2 =	sld [smem:$0x3FAE]  }
0x29: {  	s4 =	sld [smem:$0x3FB0]  }
0x2a: {  	p0 =	seq.s32 s5, $0x0;
	s5 =	sld [smem:$0x3FB1]  }
0x2b: {  	s6 =	sld [smem:$0x3FB2]  }
0x2c: {  	s7 =	sld [smem:$0x3FB3]  }
0x2d: {  	s3 =	simm.s32 $0x108;
	s8 =	sld [smem:$0x3FB4]  }
0x2e: {  	s3 =	simm.s32 @!p0 $0x1082;
	s9 =	sld [smem:$0x3FB5]  }
0x2f: {  	lr =	sadd.s32 s0, s3;
	s0 =	sld [smem:$0x3FAC]  }
0x30: {  	s3 =	sld [smem:$0x3FAF]  }
0x31: {  	[smem:$0x3FB8] =	sst s10  }
0x32: {  	s10 =	sld [smem:$0x3FB6];
	_ =	sdelay $0x3  }
0x33: {  	p0 =	seq.s32 s10, $0x1;
	s10 =	sld [smem:$0x3FB8];
	_ =	sdelay $0x3  }
0x34: {  	[smem:$0x3FB8] =	sst s10  }
0x35: {  	s10 =	sld [smem:$0x3FB7];
	_ =	sdelay $0x3  }
0x36: {  	p1 =	seq.s32 s10, $0x1;
	s10 =	sld [smem:$0x3FB8];
	_ =	sdelay $0x3  }
0x37: {  	[smem:$0x3FB8] =	sst s10  }
0x38: {  	s10 =	sld [smem:$0x3FB9]  }
0x39: {  	_ = 	snop;
	(pc) =	sbr.ind lr, $3  }
0x3a: {  	_ = 	snop  }
0x3b: {  	_ = 	snop  }
0x3c: {  	p2 =	seq.s32 s10, $0x1;
	s10 =	sld [smem:$0x3FB8]  }
0x3d: {  	_ =	shalt  }
0x3e: {  	_ =	shalt  }
0x3f: {  	_ =	shalt  }
0x40: {  	_ =	shalt  }
0x41: {  	_ =	shalt  }
0x42: {  	_ =	shalt  }
0x43: {  	_ =	shalt  }
0x44: {  	_ =	shalt  }
0x45: {  	_ =	shalt  }
0x46: {  	_ =	shalt  }
0x47: {  	_ =	shalt  }
0x48: {  	_ =	shalt  }
0x49: {  	_ =	shalt  }
0x4a: {  	_ =	shalt  }
0x4b: {  	_ =	shalt  }
0x4c: {  	_ =	shalt  }
0x4d: {  	_ =	shalt  }
0x4e: {  	_ =	shalt  }
0x4f: {  	_ =	shalt  }
0x50: {  	_ =	shalt  }
0x51: {  	_ =	shalt  }
0x52: {  	_ =	shalt  }
0x53: {  	_ =	shalt  }
0x54: {  	_ =	shalt  }
0x55: {  	_ =	shalt  }
0x56: {  	_ =	shalt  }
0x57: {  	_ =	shalt  }
0x58: {  	_ =	shalt  }
0x59: {  	_ =	shalt  }
0x5a: {  	_ =	shalt  }
0x5b: {  	_ =	shalt  }
0x5c: {  	_ =	shalt  }
0x5d: {  	_ =	shalt  }
0x5e: {  	_ =	shalt  }
0x5f: {  	_ =	shalt  }
0x60: {  	_ =	shalt  }
0x61: {  	_ =	shalt  }
0x62: {  	_ =	shalt  }
0x63: {  	_ =	shalt  }
0x64: {  	_ =	shalt  }
0x65: {  	_ =	shalt  }
0x66: {  	_ =	shalt  }
0x67: {  	_ =	shalt  }
0x68: {  	_ =	shalt  }
0x69: {  	_ =	shalt  }
0x6a: {  	_ =	shalt  }
0x6b: {  	_ =	shalt  }
0x6c: {  	_ =	shalt  }
0x6d: {  	_ =	shalt  }
0x6e: {  	_ =	shalt  }
0x6f: {  	_ =	shalt  }
0x70: {  	_ =	shalt  }
0x71: {  	_ =	shalt  }
0x72: {  	_ =	shalt  }
0x73: {  	_ =	shalt  }
0x74: {  	_ =	shalt  }
0x75: {  	_ =	shalt  }
0x76: {  	_ =	shalt  }
0x77: {  	_ =	shalt  }
0x78: {  	_ =	shalt  }
0x79: {  	_ =	shalt  }
0x7a: {  	_ =	shalt  }
0x7b: {  	_ =	shalt  }
0x7c: {  	_ =	shalt  }
0x7d: {  	_ =	shalt  }
0x7e: {  	_ =	shalt  }
0x7f: {  	_ =	shalt  }
0x80: {  	_ =	shalt  }
0x81: {  	_ =	shalt  }
0x82: {  	_ =	shalt  }
0x83: {  	_ =	shalt  }
0x84: {  	_ =	shalt  }
0x85: {  	_ =	shalt  }
0x86: {  	_ =	shalt  }
0x87: {  	_ =	shalt  }
.Lfunc_end0:
.L_simem_size_0:
called_computation_lowered:
.L_overlay_start_0:
0x88: {  	s2 =	sld [smem:$0x3FD9]  }
0x89: {  	s3 =	sld [smem:$0x3FFE];
	_ =	sdelay $0x1  }
0x8a: {  	s1 =	srdreg.scid  }
0x8b: {  	s0 =	sand.u32 $0x1, s1  }
0x8c: {  	s17 =	sshll.u32 s0, $0xA;
	s2 =	sadd.s32 s3, s2  }
0x8d: {  	s2 =	sadd.s32 s2, s17  }
0x8e: {  	[smem:$0x3FC4] =	sst s2  }
0x8f: {  	_ = 	snop  }
0x90: {  	s2 =	sld [smem:$0x3FC9]  }
0x91: {  	s18 =	sld [smem:$0x3FC8]  }
0x92: {  	s4 =	sld [smem:$0x3FC7]  }
0x93: {  	s5 =	sld [smem:$0x3FC6];
	(tm) =	ssettm $0x1  }
0x94: {  	s6 =	sld [smem:$0x3FFB];
	_ =	sdelay $0x3  }
0x95: {  	_ =	strace s6  }
0x96: {  	s6 =	sld [smem:$0x3FFC];
	_ =	sdelay $0x3  }
0x97: {  	_ =	strace s6  }
0x98: {  	s6 =	sld [smem:$0x3FFD];
	_ =	sdelay $0x3  }
0x99: {  	_ =	strace s6  }
0x9a: {  	_ =	strace $0x8FFFFFFF  }
0x9b: {  	s19 =	sld [smem:$0x3FDB];
	_ =	sdelay $0x1  }
0x9c: {  	s7 =	simm.s32 $_scs_section_size  }
0x9d: {  	s8 =	simm.s32 $_size__tile_overlayer_lowered;
	s9 =	simm.s32 $_tile_overlayer_lowered  }
0x9e: {  	s22 =	simm.s32 $0x1BFF;
	s21 =	sshll.u32 s9, $0x1;
	s6 =	sadd.s32 s7, s19  }
0x9f: {  	s10 =	simm.s32 $0x0;
	s20 =	sshll.u32 s8, $0x1;
	s8 =	sadd.s32 s21, s6  }
0xa0: {  	[timem:s10], [sflag:s22] =	dma.local [hbm:s8], s20  }
0xa1: {  	_ =	swait.ge [sflag:s22], s20  }
0xa2: {  	s7 =	ssub.s32 $0x0, s20;
	[sflag:s22] =	ssyncset.done $0x0  }
0xa3: {  	[sflag:s22] =	ssyncadd.s32 s7;
	_ =	sdelay $0x1  }
0xa4: {  	s23 =	simm.s32 $0x1B8B  }
0xa5: {  	_ =	swait.ge [sflag:s23], $0x1  }
0xa6: {  	[sflag:s23] =	ssyncset.done $0x0  }
0xa7: {  	s25 =	simm.s32 $0x1B8E;
	s24 =	sld [smem:$0x3FFE];
	[sflag:s23] =	ssyncadd.s32 $0xFFFFFFFF  }
0xa8: {  	s26 =	simm.s32 $execute0_lowered;
	[smem:$0x3FD2] =	sst s25  }
0xa9: {  	s8 =	sshll.u32 s26, $0x1;
	_ =	strace $0x80000046;
	[dreg:$0x1] =	wrdreg $0xFFFFFFFF  }
0xaa: {  	s28 =	simm.s32 $_size_execute0_lowered;
	s6 =	sadd.s32 s6, s8;
	[dreg:$0x0] =	wrdreg $0x0  }
0xab: {  	s8 =	sshll.u32 s28, $0x1;
	[dreg:$0x2] =	wrdreg s6  }
0xac: {  	[dreg:$0x3] =	wrdreg s8  }
0xad: {  	[dreg:$0x4] =	wrdreg $0xC0  }
0xae: {  	_ =	task [dreg:s10], $0x5FFFF  }
0xaf: {  	[dreg:$0x1] =	wrdreg $0xFFFFFFFF  }
0xb0: {  	[dreg:$0x0] =	wrdreg $0x60  }
0xb1: {  	[dreg:$0x2] =	wrdreg s2  }
0xb2: {  	[dreg:$0x3] =	wrdreg s4  }
0xb3: {  	[dreg:$0x4] =	wrdreg s18  }
0xb4: {  	[dreg:$0x5] =	wrdreg s5  }
0xb5: {  	[dreg:$0x6] =	wrdreg s24  }
0xb6: {  	[dreg:$0x7] =	wrdreg $0x9  }
0xb7: {  	_ =	task.clear_ibuf [dreg:s10], $0x8FFFF;
	_ =	strace $0x90000046  }
0xb8: {  	s29 =	simm.s32 $0x9;
	_ =	strace $0x80000048  }
0xb9: {  	_ =	swait.ge [sflag:s29], $0x1  }
0xba: {  	[sflag:s29] =	ssyncadd.s32 $0xFFFFFFFF  }
0xbb: {  	_ =	strace $0x90000048  }
0xbc: {  	_ =	sfence  }
0xbd: {  	s30 =	sld [smem:$0x0];
	_ =	sdelay $0x2  }
0xbe: {  	s31 =	sshll.u32 s1, $0xD;
	s1 =	sshrl.u32 s1, $0x2  }
0xbf: {  	s3 =	sand.u32 $0x4000, s31;
	s1 =	sadd.s32 s1, s30  }
0xc0: {  	s0 =	sor.u32 s3, s0;
	s1 =	sshll.u32 s1, $0x11  }
0xc1: {  	s0 =	sor.u32 s1, s0  }
0xc2: {  	s0 =	sadd.s32 $0x8F2B, s0  }
0xc3: {  	[sflag:s0] =	ssyncadd.remote.s32 $0x1  }
0xc4: {  	_ =	sfence.sel $0xFFFF  }
0xc5: {  	[dreg:$0x0] =	wrdreg $0xFFFFFFFF;
	(pc) =	sbr.abs _section_cstart, $3  }
0xc6: {  	[dreg:$0x1] =	wrdreg $0xFFFFFFFF  }
0xc7: {  	_ =	task.clear_ibuf [dreg:s10], $0x2FFFF;
	_ =	strace $0x9FFFFFFF  }
0xc8: {  	(tm) =	ssettm $0x7FFFFFFF  }
0xc9: {  	_ =	shalt  }
tec
execute0_lowered:
.L_overlay_start_1:
0x0: {  	(tag) =	ssettag $0x1  }
0x1: {  	s1 =	srdreg.scid;
	s0 =	stileid.u32  }
0x2: {  	s5 =	sand.u32 $0x1, s1;
	s24 =	sshll.u32 s0, $0x1  }
0x3: {  	s6 =	sor.u32 s5, s24  }
0x4: {  	s1 =	sand.u32 $0x3, s6  }
0x5: {  	s12 =	sshrl.u32 s0, $0x1;
	s7 =	smul.u32 $0x7D, s1  }
0x6: {  	v13 =	vlaneseq.u32;
	s3 =	smul.u32 $0xA180, s12  }
0x7: {  	v17 =	vadd.s32 s7, v13  }
0x8: {  	v1 =	vmov s3;
	s2 =	sadd.s32 $0x10, s7;
	s25 =	sadd.s32 $0x7D, s7;
	s11 =	sadd.s32 $0x20, s7;
	v0 =	vmin.u32 v17, $0x1F3  }
0x9: {  	s13 =	sadd.s32 $0x30, s7;
	s26 =	sadd.s32 $0x40, s7;
	s28 =	sadd.s32 $0x50, s7;
	v18 =	vadd.s32 s2, v13;
	v19 =	vmov s25;
	v20 =	vadd.s32 s11, v13  }
0xa: {  	s8 =	rddreg [dreg:$0x1];
	s29 =	sadd.s32 $0x60, s7;
	s7 =	sadd.s32 $0x70, s7;
	v21 =	vadd.s32 s13, v13;
	v22 =	vadd.s32 s26, v13;
	v23 =	vadd.s32 s28, v13  }
0xb: {  	s9 =	rddreg [dreg:$0x2];
	v24 =	vadd.s32 s29, v13;
	v25 =	vadd.s32 s7, v13;
	v3 =	vshll.u32 v0, $0x3  }
0xc: {  	s10 =	rddreg [dreg:$0x4];
	v2 =	vmin.u32 v18, $0x1F3;
	v5 =	vmin.u32 v20, $0x1F3;
	v6 =	vmin.u32 v21, $0x1F3  }
0xd: {  	s4 =	simm.s32 $0x0;
	s16 =	simm.s32 $0x480;
	s17 =	simm.s32 $0x580;
	v7 =	vmin.u32 v22, $0x1F3;
	v11 =	vmin.u32 v23, $0x1F3;
	v12 =	vmin.u32 v24, $0x1F3  }
0xe: {  	s18 =	simm.s32 $0x8580;
	s19 =	simm.s32 $0x3;
	s20 =	simm.s32 $0x0;
	v13 =	vmin.u32 v25, $0x1F3;
	vm0 =	vlt.u32 v25, v19;
	vm1 =	vlt.u32 v24, v19  }
0xf: {  	[smem:$0x7FF] =	sst s4;
	s5 =	ssub.s32 $0x2, s5;
	s15 =	sshll.u32 s12, $0x4;
	vm2 =	vlt.u32 v23, v19;
	vm3 =	vlt.u32 v22, v19;
	vm4 =	vlt.u32 v21, v19  }
0x10: {  	s14 =	sshrl.u32 s5, $0x1;
	s31 =	sshll.u32 s6, $0x5;
	s1 =	rddreg [dreg:$0x0];
	vm5 =	vlt.u32 v20, v19;
	vm6 =	vlt.u32 v18, v19;
	vm7 =	vlt.u32 v17, v19  }
0x11: {  	s6 =	sadd.s32 s9, s15;
	s9 =	simm.s32 $0x80;
	s3 =	rddreg [dreg:$0x5];
	v3 =	vor.u32 s12, v3;
	v4 =	vshll.u32 v2, $0x3;
	v8 =	vshll.u32 v5, $0x3  }
0x12: {  	s30 =	ssub.s32 s5, s14;
	s5 =	sadd.s32 s8, s15;
	s14 =	simm.s32 $0x500;
	v9 =	vshll.u32 v6, $0x3;
	v10 =	vshll.u32 v7, $0x3;
	v14 =	vshll.u32 v11, $0x3  }
0x13: {  	s15 =	simm.s32 $0x4580;
	s8 =	smax.u32 s30, $0x1;
	s2 =	rddreg [dreg:$0x3];
	v15 =	vshll.u32 v12, $0x3;
	v16 =	vshll.u32 v13, $0x3;
	v4 =	vor.u32 s12, v4  }
0x14: {  	_ =	strace $0x80000047;
	s7 =	sadd.s32 s10, s31;
	s10 =	simm.s32 $0x400;
	v8 =	vor.u32 s12, v8;
	v9 =	vor.u32 s12, v9;
	v10 =	vor.u32 s12, v10  }
0x15: {  	s11 =	simm.s32 $0x200;
	s13 =	simm.s32 $0x1;
	v14 =	vor.u32 s12, v14;
	v15 =	vor.u32 s12, v15;
	v16 =	vor.u32 s12, v16;
	s12 =	simm.s32 $0x2  }
.LBB2_1:
0x16: {  	[tilespmem:s4], [sflag:$0x1] =	stream.strided.gather [hbm4b:s5+s9], $0x200, s10, s9, $0x38;
	[tilespmem:$0x8680] =	vst v63  }
0x17: {  	_ = 	snop  }
0x18: {  	[tilespmem:s11], [sflag:$0x2] =	stream.strided.gather [hbm4b:s6+s9], $0x200, s10, s9, $0x38;
	[tilespmem:$0x8680] =	vst v63  }
0x19: {  	_ =	swait.ge [sflag:s12], $0x200  }
0x1a: {  	[sflag:s12] =	ssyncset.done $0x0  }
0x1b: {  	[sflag:s12] =	ssyncadd.s32 $0xFFFFFE00  }
0x1c: {  	_ =	swait.ge [sflag:s13], $0x200  }
0x1d: {  	[sflag:s13] =	ssyncset.done $0x0  }
0x1e: {  	[sflag:s13] =	ssyncadd.s32 $0xFFFFFE00  }
0x1f: {  	v17 =	vld.idx.msk [tilespmem:v0+s4+$0x0], $0xffff;
	_ =	sdelay $0x4  }
0x20: {  	[tilespmem:$0x500] =	vst v3;
	v17 =	vadd.s32 v1, v17  }
0x21: {  	[tilespmem:$0x480] =	vst v17  }
0x22: {  	v17 =	vld.idx.msk [tilespmem:v0+s11+$0x0], $0xffff;
	_ =	sdelay $0x4  }
0x23: {  	vm8 =	vgt.s32 v17, $0x0  }
0x24: {  	v17 =	vimm.f32 $0.0e+00;
	vm8 =	vmand vm7, vm8  }
0x25: {  	v18 =	vsel vm8, $0x3F800000, v17  }
0x26: {  	[tilespmem:$0x400] =	vst v18  }
0x27: {  	v19 =	vld.idx.msk [tilespmem:v2+s4+$0x0], $0xffff;
	_ =	sdelay $0x4  }
0x28: {  	[tilespmem:$0x510] =	vst v4;
	v19 =	vadd.s32 v1, v19  }
0x29: {  	[tilespmem:$0x490] =	vst v19  }
0x2a: {  	v19 =	vld.idx.msk [tilespmem:v2+s11+$0x0], $0xffff;
	_ =	sdelay $0x4  }
0x2b: {  	vm8 =	vgt.s32 v19, $0x0  }
0x2c: {  	vm8 =	vmand vm6, vm8  }
0x2d: {  	v19 =	vsel vm8, $0x3F800000, v17  }
0x2e: {  	[tilespmem:$0x410] =	vst v19  }
0x2f: {  	v20 =	vld.idx.msk [tilespmem:v5+s4+$0x0], $0xffff;
	_ =	sdelay $0x4  }
0x30: {  	[tilespmem:$0x520] =	vst v8;
	v20 =	vadd.s32 v1, v20  }
0x31: {  	[tilespmem:$0x4A0] =	vst v20  }
0x32: {  	v20 =	vld.idx.msk [tilespmem:v5+s11+$0x0], $0xffff;
	_ =	sdelay $0x4  }
0x33: {  	vm8 =	vgt.s32 v20, $0x0  }
0x34: {  	vm8 =	vmand vm5, vm8  }
0x35: {  	v20 =	vsel vm8, $0x3F800000, v17  }
0x36: {  	[tilespmem:$0x420] =	vst v20  }
0x37: {  	v21 =	vld.idx.msk [tilespmem:v6+s4+$0x0], $0xffff;
	_ =	sdelay $0x4  }
0x38: {  	[tilespmem:$0x530] =	vst v9;
	v21 =	vadd.s32 v1, v21  }
0x39: {  	[tilespmem:$0x4B0] =	vst v21  }
0x3a: {  	v21 =	vld.idx.msk [tilespmem:v6+s11+$0x0], $0xffff;
	_ =	sdelay $0x4  }
0x3b: {  	vm8 =	vgt.s32 v21, $0x0  }
0x3c: {  	vm8 =	vmand vm4, vm8  }
0x3d: {  	v21 =	vsel vm8, $0x3F800000, v17  }
0x3e: {  	[tilespmem:$0x430] =	vst v21  }
0x3f: {  	v22 =	vld.idx.msk [tilespmem:v7+s4+$0x0], $0xffff;
	_ =	sdelay $0x4  }
0x40: {  	[tilespmem:$0x540] =	vst v10;
	v22 =	vadd.s32 v1, v22  }
0x41: {  	[tilespmem:$0x4C0] =	vst v22  }
0x42: {  	v22 =	vld.idx.msk [tilespmem:v7+s11+$0x0], $0xffff;
	_ =	sdelay $0x4  }
0x43: {  	vm8 =	vgt.s32 v22, $0x0  }
0x44: {  	vm8 =	vmand vm3, vm8  }
0x45: {  	v22 =	vsel vm8, $0x3F800000, v17  }
0x46: {  	[tilespmem:$0x440] =	vst v22  }
0x47: {  	v23 =	vld.idx.msk [tilespmem:v11+s4+$0x0], $0xffff;
	_ =	sdelay $0x4  }
0x48: {  	[tilespmem:$0x550] =	vst v14;
	v23 =	vadd.s32 v1, v23  }
0x49: {  	[tilespmem:$0x4D0] =	vst v23  }
0x4a: {  	v23 =	vld.idx.msk [tilespmem:v11+s11+$0x0], $0xffff;
	_ =	sdelay $0x4  }
0x4b: {  	vm8 =	vgt.s32 v23, $0x0  }
0x4c: {  	vm8 =	vmand vm2, vm8  }
0x4d: {  	v23 =	vsel vm8, $0x3F800000, v17  }
0x4e: {  	[tilespmem:$0x450] =	vst v23  }
0x4f: {  	v24 =	vld.idx.msk [tilespmem:v12+s4+$0x0], $0xffff;
	_ =	sdelay $0x4  }
0x50: {  	[tilespmem:$0x560] =	vst v15;
	v24 =	vadd.s32 v1, v24  }
0x51: {  	[tilespmem:$0x4E0] =	vst v24  }
0x52: {  	v24 =	vld.idx.msk [tilespmem:v12+s11+$0x0], $0xffff;
	_ =	sdelay $0x4  }
0x53: {  	vm8 =	vgt.s32 v24, $0x0  }
0x54: {  	vm8 =	vmand vm1, vm8  }
0x55: {  	v24 =	vsel vm8, $0x3F800000, v17  }
0x56: {  	[tilespmem:$0x460] =	vst v24  }
0x57: {  	v25 =	vld.idx.msk [tilespmem:v13+s4+$0x0], $0xffff;
	_ =	sdelay $0x4  }
0x58: {  	[tilespmem:$0x570] =	vst v16;
	v25 =	vadd.s32 v1, v25  }
0x59: {  	[tilespmem:$0x4F0] =	vst v25  }
0x5a: {  	v25 =	vld.idx.msk [tilespmem:v13+s11+$0x0], $0xffff;
	_ =	sdelay $0x4  }
0x5b: {  	vm8 =	vgt.s32 v25, $0x0  }
0x5c: {  	vm8 =	vmand vm0, vm8  }
0x5d: {  	v25 =	vsel vm8, $0x3F800000, v17  }
0x5e: {  	[tilespmem:$0x470] =	vst v25  }
0x5f: {  	[tilespmem:s15], [sflag:$0x2] =	stream.indirect.gather [hbm4b:s2+s9], $0x80, s14, s9, $0xb8;
	[tilespmem:$0x8680] =	vst v63  }
0x60: {  	_ = 	snop  }
0x61: {  	[tilespmem:s17], [sflag:$0x1] =	stream.indirect.gather [hbm4b:s1+s9], $0x80, s16, s9, $0xb8;
	[tilespmem:$0x8680] =	vst v63  }
0x62: {  	_ =	swait.ge [sflag:s13], $0x4000  }
0x63: {  	[sflag:s13] =	ssyncset.done $0x0  }
0x64: {  	[sflag:s13] =	ssyncadd.s32 $0xFFFFC000  }
0x65: {  	_ =	swait.ge [sflag:s12], $0x4000  }
0x66: {  	[sflag:s12] =	ssyncset.done $0x0  }
0x67: {  	s21 =	simm.s32 $0x5C0;
	[sflag:s12] =	ssyncadd.s32 $0xFFFFC000  }
0x68: {  	s22 =	simm.s32 $0x45C0;
	v26 =	vld [tilespmem:s21+$0xFFFFFFC0]  }
0x69: {  	v27 =	vld [tilespmem:s22+$0xFFFFFFC0]  }
0x6a: {  	v28 =	vld [tilespmem:s21+$0xFFFFFFD0]  }
0x6b: {  	v29 =	vld [tilespmem:s22+$0xFFFFFFD0]  }
0x6c: {  	v30 =	vld [tilespmem:s21+$0xFFFFFFE0]  }
0x6d: {  	v31 =	vld [tilespmem:s22+$0xFFFFFFE0]  }
0x6e: {  	v32 =	vld [tilespmem:s21+$0xFFFFFFF0]  }
0x6f: {  	v33 =	vld [tilespmem:s22+$0xFFFFFFF0]  }
0x70: {  	v26 =	vsub.f32 v26, v27;
	v27 =	vsub.f32 v28, v29;
	v28 =	vld [tilespmem:s21+$0x0]  }
0x71: {  	v29 =	vld [tilespmem:s22+$0x0]  }
0x72: {  	v35 =	vld [tilespmem:s22+$0x10];
	v30 =	vsub.f32 v30, v31;
	v26 =	vmul.f32 v26, v26;
	v27 =	vmul.f32 v27, v27  }
0x73: {  	v31 =	vld [tilespmem:s21+$0x10]  }
0x74: {  	v62 =	vld [tilespmem:s21+$0x20];
	v26 =	vadd.f32 v27, v26;
	v27 =	vmul.f32 v30, v30;
	v30 =	vsub.f32 v32, v33  }
0x75: {  	v34 =	vmov s4;
	v63 =	vld [tilespmem:s22+$0x20]  }
0x76: {  	v36 =	vld [tilespmem:s21+$0x30];
	v28 =	vsub.f32 v28, v29;
	v27 =	vadd.f32 v27, v26;
	v30 =	vmul.f32 v30, v30  }
0x77: {  	v37 =	vld [tilespmem:s22+$0x30];
	s21 =	simm.s32 $0x640  }
0x78: {  	s22 =	simm.s32 $0x4640;
	v32 =	vld [tilespmem:s21+$0xFFFFFFD0];
	v28 =	vmul.f32 v28, v28;
	v29 =	vadd.f32 v30, v27;
	v30 =	vsub.f32 v31, v35  }
0x79: {  	v33 =	vld [tilespmem:s22+$0xFFFFFFD0]  }
0x7a: {  	v26 =	vld.idx.msk [tilespmem:v34+s10+$0x0], $0xffff;
	v28 =	vadd.f32 v28, v29;
	v29 =	vmul.f32 v30, v30;
	v30 =	vsub.f32 v62, v63  }
0x7b: {  	v27 =	vld [tilespmem:s21+$0xFFFFFFC0]  }
0x7c: {  	s23 =	simm.s32 $0x1;
	s24 =	simm.s32 $0x2;
	v31 =	vld [tilespmem:s22+$0xFFFFFFC0];
	v28 =	vadd.f32 v29, v28;
	v29 =	vmul.f32 v30, v30;
	v30 =	vsub.f32 v36, v37  }
.LBB2_2:
0x7d: {  	p0 =	sne.s32 s24, $0x7C;
	v34 =	vld [tilespmem:s21+$0xFFFFFFE0]  }
0x7e: {  	v35 =	vld [tilespmem:s22+$0xFFFFFFE0];
	v28 =	vadd.f32 v29, v28;
	v29 =	vmul.f32 v30, v30  }
0x7f: {  	v30 =	vld [tilespmem:s21+$0xFFFFFFF0]  }
0x80: {  	v36 =	vld [tilespmem:s22+$0xFFFFFFF0];
	v28 =	vadd.f32 v29, v28  }
0x81: {  	v27 =	vsub.f32 v27, v31;
	v29 =	vsub.f32 v32, v33;
	v31 =	vld [tilespmem:s21+$0x0]  }
0x82: {  	v32 =	vld [tilespmem:s22+$0x0];
	v26 =	vmul.f32 v28, v26  }
0x83: {  	v27 =	vmul.f32 v27, v27;
	v28 =	vmul.f32 v29, v29;
	v29 =	vsub.f32 v34, v35;
	v33 =	vld [tilespmem:s21+$0x10]  }
0x84: {  	v34 =	vmov s23;
	s23 =	smov.u32 s24;
	v35 =	vld [tilespmem:s22+$0x10];
	v17 =	vadd.f32 v26, v17  }
0x85: {  	v26 =	vadd.f32 v28, v27;
	v27 =	vmul.f32 v29, v29;
	v28 =	vsub.f32 v30, v36;
	v29 =	vld [tilespmem:s21+$0x20]  }
0x86: {  	v30 =	vld [tilespmem:s22+$0x20]  }
0x87: {  	v27 =	vadd.f32 v27, v26;
	v28 =	vmul.f32 v28, v28;
	v31 =	vsub.f32 v31, v32;
	v36 =	vld [tilespmem:s21+$0x30]  }
0x88: {  	v37 =	vld [tilespmem:s22+$0x30]  }
.Ltmp0:
0x89: {  	s21 =	sadd.s32 $0x80, s21;
	v26 =	vld.idx.msk [tilespmem:v34+s10+$0x0], $0xffff;
	v28 =	vadd.f32 v28, v27;
	v32 =	vmul.f32 v31, v31;
	v33 =	vsub.f32 v33, v35;
	(pc) =	sbr.rel @p0 .LBB2_2-.Ltmp0, $4  }
0x8a: {  	s22 =	sadd.s32 $0x80, s22;
	v27 =	vld [tilespmem:s21+$0xFFFFFFC0]  }
0x8b: {  	v31 =	vld [tilespmem:s22+$0xFFFFFFC0];
	v28 =	vadd.f32 v32, v28;
	v34 =	vmul.f32 v33, v33;
	v29 =	vsub.f32 v29, v30  }
0x8c: {  	v32 =	vld [tilespmem:s21+$0xFFFFFFD0]  }
0x8d: {  	s24 =	sadd.s32 $0x1, s24;
	v33 =	vld [tilespmem:s22+$0xFFFFFFD0];
	v28 =	vadd.f32 v34, v28;
	v29 =	vmul.f32 v29, v29;
	v30 =	vsub.f32 v36, v37  }
0x8e: {  	v34 =	vld [tilespmem:s21+$0xFFFFFFE0]  }
0x8f: {  	v35 =	vld [tilespmem:s22+$0xFFFFFFE0]  }
0x90: {  	v36 =	vld [tilespmem:s21+$0xFFFFFFF0]  }
0x91: {  	v37 =	vld [tilespmem:s22+$0xFFFFFFF0]  }
0x92: {  	v47 =	vld [tilespmem:s21+$0x0];
	v27 =	vsub.f32 v27, v31;
	v46 =	vsub.f32 v32, v33  }
0x93: {  	v48 =	vld [tilespmem:s22+$0x0]  }
0x94: {  	v49 =	vld [tilespmem:s21+$0x10];
	v27 =	vmul.f32 v27, v27;
	v34 =	vsub.f32 v34, v35;
	v31 =	vmul.f32 v46, v46  }
0x95: {  	v50 =	vld [tilespmem:s22+$0x10]  }
0x96: {  	v51 =	vld [tilespmem:s21+$0x20];
	v36 =	vsub.f32 v36, v37;
	v34 =	vmul.f32 v34, v34;
	v27 =	vadd.f32 v31, v27  }
0x97: {  	v52 =	vld [tilespmem:s22+$0x20]  }
0x98: {  	v53 =	vld [tilespmem:s21+$0x30];
	v32 =	vsub.f32 v47, v48;
	v36 =	vmul.f32 v36, v36;
	v27 =	vadd.f32 v34, v27  }
0x99: {  	v54 =	vld [tilespmem:s22+$0x30];
	v55 =	vmov s23;
	v18 =	vadd.f32 v19, v18  }
0x9a: {  	v32 =	vmul.f32 v32, v32;
	v31 =	vsub.f32 v49, v50;
	v27 =	vadd.f32 v36, v27  }
0x9b: {  	v18 =	vadd.f32 v20, v18  }
0x9c: {  	v57 =	vsub.f32 v51, v52;
	v56 =	vmul.f32 v31, v31;
	v19 =	vadd.f32 v32, v27  }
0x9d: {  	v28 =	vadd.f32 v29, v28;
	v58 =	vmul.f32 v30, v30;
	v18 =	vadd.f32 v21, v18  }
0x9e: {  	v60 =	vsub.f32 v53, v54;
	v59 =	vmul.f32 v57, v57;
	v19 =	vadd.f32 v56, v19  }
0x9f: {  	v61 =	vld.idx.msk [tilespmem:v55+s10+$0x0], $0xffff;
	v18 =	vadd.f32 v22, v18  }
0xa0: {  	v62 =	vadd.f32 v58, v28;
	v63 =	vmul.f32 v60, v60;
	v19 =	vadd.f32 v59, v19  }
0xa1: {  	v18 =	vadd.f32 v23, v18  }
0xa2: {  	v21 =	vmul.f32 v62, v26;
	v19 =	vadd.f32 v63, v19  }
0xa3: {  	v18 =	vadd.f32 v24, v18  }
0xa4: {  	v17 =	vadd.f32 v21, v17;
	v19 =	vmul.f32 v19, v61  }
0xa5: {  	v18 =	vadd.f32 v25, v18  }
0xa6: {  	s20 =	sadd.s32 $0x1, s20;
	v17 =	vadd.f32 v19, v17  }
0xa7: {  	p0 =	sne.s32 s20, s8;
	[tilespmem:$0x8600] =	vst v18  }
.Ltmp1:
0xa8: {  	[tilespmem:$0x8580] =	vst v17;
	(pc) =	sbr.rel @p0 .LBB2_1-.Ltmp1, $4  }
0xa9: {  	[hbm4b:s7+s4] =	stream.linear.scatter [tilespmem:s18], [sflag:$0x3], $0x100, $0x38;
	[tilespmem:$0x8680] =	vst v63  }
0xaa: {  	_ =	swait.ge [sflag:s19], $0x100  }
0xab: {  	[sflag:s19] =	ssyncset.done $0x0  }
0xac: {  	[sflag:s19] =	ssyncadd.s32 $0xFFFFFF00  }
0xad: {  	_ =	sfence.sel $0x180000  }
0xae: {  	[bflag:$0x0] =	sbarrier.arrive $0xFFFF  }
0xaf: {  	p0 =	sne.s32 s0, $0x0;
	_ =	strace $0x90000047  }
0xb0: {  	s0 =	sadd.s32 @!p0 $0x100000, s3;
	[bflag:$0x2] =	sbarrier.arrive $0xFFFF  }
0xb1: {  	[sflag:s0] =	ssyncadd.tile.s32 @!p0 $0x1;
	_ =	shalt  }
.Lfunc_end2:
_tile_overlayer_lowered:
.L_overlay_start_2:
0xb2: {  	(tag) =	ssettag $0x2  }
0xb3: {  	s0 =	rddreg [dreg:$0x0];
	s2 =	stileid.u32  }
0xb4: {  	s1 =	rddreg [dreg:$0x1];
	p0 =	sne.s32 s2, $0x0  }
0xb5: {  	s3 =	rddreg [dreg:$0x2];
	[bflag:$0x3] =	sbarrier.arrive $0xFFFF;
	s2 =	simm.s32 @!p0 $0x1C03  }
0xb6: {  	[timem:s3], [sflag:s2] =	dma.local @!p0 [hbm:s0], s1  }
0xb7: {  	s0 =	simm.s32 @!p0 $0x3  }
0xb8: {  	_ =	swait.ge @!p0 [sflag:s0], s1  }
0xb9: {  	s1 =	ssub.s32 @!p0 $0x0, s1;
	[sflag:s0] =	ssyncset.done @!p0 $0x0  }
0xba: {  	[sflag:s0] =	ssyncadd.s32 @!p0 s1  }
0xbb: {  	[bflag:$0x3] =	sbarrier.arrive $0xFFFF  }
0xbc: {  	_ =	shalt  }

</sc_bundles>
